<compile_context>
chip_gen: v7x
topology: tpu7x:2x2x1
jax: 0.10.2.dev20260603
libtpu: 0.0.44.dev20260713+nightly
codegen_flags: <defaults>
</compile_context>

<pallas_src>
import functools

import jax
import jax.numpy as jnp
from jax import lax
from jax.experimental import pallas as pl
from jax.experimental.pallas import tpu as pltpu
from jax.experimental.pallas import tpu_sc as plsc

N = 10000
F = 128
T = 4
E = 320000

NC = 2
NS = 16
NW = NC * NS
CH = 96
CPW0 = 128
CPW1 = 82
CPW_MAX = max(CPW0, CPW1)
CNT0 = CPW0 * CH
E0 = NS * CNT0
CNT1 = (E - E0) // NS
DUMMY = N << 16
A_ROWS = 10112
RPT = A_ROWS // NS
CC = 96
GA = 10


def _prep_body(h_ref, w_ref, b_ref, src_ref, et_ref, dst_ref, tab_ref, pk_ref):
    hb = h_ref[...]
    for t in range(T):
        tab_ref[t] = lax.dot_general(
            hb, w_ref[t], (((1,), (1,)), ((), ())),
            preferred_element_type=jnp.float32) + b_ref[t]
    pk_ref[...] = (et_ref[...] * N + src_ref[...]) | (dst_ref[...] << 16)


_prep_call = pl.pallas_call(
    _prep_body,
    grid=(GA,),
    in_specs=[
        pl.BlockSpec((N // GA, F), lambda i: (i, 0)),
        pl.BlockSpec((T, F, F), lambda i: (0, 0, 0)),
        pl.BlockSpec((T, F), lambda i: (0, 0)),
        pl.BlockSpec((1, 1, E // GA), lambda i: (i, 0, 0)),
        pl.BlockSpec((1, 1, E // GA), lambda i: (i, 0, 0)),
        pl.BlockSpec((1, 1, E // GA), lambda i: (i, 0, 0)),
    ],
    out_specs=[
        pl.BlockSpec((T, N // GA, F), lambda i: (0, i, 0)),
        pl.BlockSpec((1, 1, E // GA), lambda i: (i, 0, 0)),
    ],
    out_shape=[
        jax.ShapeDtypeStruct((T, N, F), jnp.float32),
        jax.ShapeDtypeStruct((GA, 1, E // GA), jnp.int32),
    ],
)


@functools.partial(
    pl.kernel,
    out_type=jax.ShapeDtypeStruct((NC, A_ROWS, F), jnp.float32),
    mesh=plsc.VectorSubcoreMesh(core_axis_name="c", subcore_axis_name="s"),
    scratch_types=[
        pltpu.VMEM((CPW_MAX * CH,), jnp.int32),
        pltpu.VMEM((2, CH), jnp.int32),
        pltpu.VMEM((2, CH), jnp.int32),
        pltpu.VMEM((CH, F), jnp.float32),
        pltpu.VMEM((CH, F), jnp.float32),
        pltpu.VMEM_SHARED((A_ROWS, F), jnp.float32),
        pltpu.SemaphoreType.DMA,
        pltpu.SemaphoreType.DMA,
        pltpu.SemaphoreType.DMA,
    ],
)
def _edge_kernel(tab_hbm, pk_hbm, out_hbm,
                 pk_v, idxb, dstb, rows0, rows1, acc_s, gsem0, gsem1, ssem):
    cid = lax.axis_index("c")
    sid = lax.axis_index("s")
    base = sid * RPT
    nfull = RPT // CC
    rem = RPT - nfull * CC

    @pl.when(cid == 0)
    def _():
        pltpu.async_copy(pk_hbm.at[pl.ds(sid * CNT0, CNT0)], pk_v, gsem0)

    @pl.when(cid == 1)
    def _():
        pltpu.async_copy(pk_hbm.at[pl.ds(E0 + sid * CNT1, CNT1)],
                         pk_v.at[pl.ds(0, CNT1)], gsem0)
        for t in range((CPW1 * CH - CNT1) // 16):
            pk_v[pl.ds(CNT1 + t * 16, 16)] = jnp.full((16,), DUMMY, jnp.int32)

    def _zrow(i, carry):
        for j in range(F // 16):
            rows0[i, pl.ds(j * 16, 16)] = jnp.zeros((16,), jnp.float32)
        return carry
    lax.fori_loop(0, CC, _zrow, 0)
    for m in range(nfull):
        pltpu.async_copy(rows0, acc_s.at[pl.ds(base + m * CC, CC)], ssem)
    pltpu.async_copy(rows0.at[pl.ds(0, rem)],
                     acc_s.at[pl.ds(base + nfull * CC, rem)], ssem)
    for m in range(nfull):
        pltpu.make_async_copy(
            rows0, acc_s.at[pl.ds(base + m * CC, CC)], ssem).wait()
    pltpu.make_async_copy(rows0.at[pl.ds(0, rem)],
                          acc_s.at[pl.ds(base + nfull * CC, rem)], ssem).wait()

    @pl.when(cid == 0)
    def _():
        pltpu.make_async_copy(pk_hbm.at[pl.ds(sid * CNT0, CNT0)],
                              pk_v, gsem0).wait()

    @pl.when(cid == 1)
    def _():
        pltpu.make_async_copy(pk_hbm.at[pl.ds(E0 + sid * CNT1, CNT1)],
                              pk_v.at[pl.ds(0, CNT1)], gsem0).wait()
    plsc.subcore_barrier()

    def _pair(k, carry):
        e0 = 2 * k * CH
        for q in range(2):
            for j in range(CH // 16):
                sl = pl.ds(j * 16, 16)
                pk = pk_v[pl.ds(e0 + q * CH + j * 16, 16)]
                idxb[q, sl] = pk & 0xFFFF
                dstb[q, sl] = lax.shift_right_logical(pk, 16)
        pltpu.async_copy(tab_hbm.at[idxb.at[0]], rows0, gsem0)
        pltpu.async_copy(tab_hbm.at[idxb.at[1]], rows1, gsem1)
        pltpu.make_async_copy(tab_hbm.at[idxb.at[0]], rows0, gsem0).wait()
        pltpu.async_copy(rows0, acc_s.at[dstb.at[0]], ssem, add=True)
        pltpu.make_async_copy(tab_hbm.at[idxb.at[1]], rows1, gsem1).wait()
        pltpu.sync_copy(rows1, acc_s.at[dstb.at[1]], add=True)
        pltpu.make_async_copy(rows0, acc_s.at[dstb.at[0]], ssem).wait()
        return carry
    npairs = lax.select(cid == 0, CPW0 // 2, CPW1 // 2)
    lax.fori_loop(0, npairs, _pair, 0)
    plsc.subcore_barrier()

    bufs = [rows0, rows1]
    szs = [CC] * nfull + [rem]
    for m, sz in enumerate(szs):
        buf = bufs[m % 2]
        r0 = base + m * CC
        if m >= 2:
            pltpu.make_async_copy(
                buf.at[pl.ds(0, szs[m - 2])],
                out_hbm.at[cid, pl.ds(base + (m - 2) * CC, szs[m - 2])],
                ssem).wait()
        pltpu.sync_copy(acc_s.at[pl.ds(r0, sz)], buf.at[pl.ds(0, sz)])
        pltpu.async_copy(buf.at[pl.ds(0, sz)],
                         out_hbm.at[cid, pl.ds(r0, sz)], ssem)
    for m in (len(szs) - 2, len(szs) - 1):
        pltpu.make_async_copy(
            bufs[m % 2].at[pl.ds(0, szs[m])],
            out_hbm.at[cid, pl.ds(base + m * CC, szs[m])], ssem).wait()


def _combine_body(p_ref, o_ref):
    o_ref[...] = p_ref[0] + p_ref[1]


_combine_call = pl.pallas_call(
    _combine_body,
    grid=(GA,),
    in_specs=[pl.BlockSpec((NC, N // GA, F), lambda i: (0, i, 0))],
    out_specs=pl.BlockSpec((N // GA, F), lambda i: (i, 0)),
    out_shape=jax.ShapeDtypeStruct((N, F), jnp.float32),
)


def kernel(feat, edge_index, etypes, W, b):
    src = edge_index[0]
    dst = edge_index[1]
    tab4, pk3 = _prep_call(
        feat, W, b,
        src.reshape(GA, 1, E // GA), etypes.reshape(GA, 1, E // GA),
        dst.reshape(GA, 1, E // GA))
    table = tab4.reshape(T * N, F)
    partial = _edge_kernel(table, pk3.reshape(-1))
    return _combine_call(partial)

# --- scband reference (transcript-rebuilt; emitter-appended) ---
"""Pipeline reference for scband-gated-graph-conv-wo-gru-51625506898539 (READ-ONLY COPY).

The authoritative reference and input builder live on the scoring server;
editing this copy changes nothing except your own understanding.
"""

import jax, jax.numpy as jnp
import numpy as np

IN_FEATS = 128
OUT_FEATS = 128
N_STEPS = 2
N_ETYPES = 4
N_NODES = 10000
N_EDGES = 320000


def setup_inputs(seed: int = 0) -> dict:
    key = jax.random.key(seed)
    k1, k2, k3, k4 = jax.random.split(key, 4)
    feat = jax.random.normal(k1, (N_NODES, IN_FEATS), dtype=jnp.float32)
    edge_index = jax.random.randint(k2, (2, N_EDGES), 0, N_NODES, dtype=jnp.int32)
    etypes = jax.random.randint(k3, (N_EDGES,), 0, N_ETYPES, dtype=jnp.int32)
    # Learned parameters: one Linear(out_feats, out_feats) per edge type,
    # xavier_normal_ with gain=calculate_gain('relu')=sqrt(2), zero bias.
    gain = np.sqrt(2.0)
    std = gain * np.sqrt(2.0 / (OUT_FEATS + OUT_FEATS))
    W = jax.random.normal(k4, (N_ETYPES, OUT_FEATS, OUT_FEATS), dtype=jnp.float32) * std
    b = jnp.zeros((N_ETYPES, OUT_FEATS), dtype=jnp.float32)
    return {"feat": feat, "edge_index": edge_index, "etypes": etypes, "W": W, "b": b}


def reference(feat, edge_index, etypes, W, b):
    # zero-pad input features up to out_feats (no-op when in_feats == out_feats)
    if OUT_FEATS > feat.shape[1]:
        pad = jnp.zeros((feat.shape[0], OUT_FEATS - feat.shape[1]), dtype=feat.dtype)
        h = jnp.concatenate([feat, pad], axis=-1)
    else:
        h = feat
    src = edge_index[0]
    dst = edge_index[1]
    a = jnp.zeros((h.shape[0], OUT_FEATS), dtype=h.dtype)
    for _ in range(N_STEPS):
        # gather source node states onto edges
        h_src = jnp.take(h, src, axis=0)  # [E, out_feats]
        # per-edge-type linear transform W_{e_ij} h_j (selected by etype mask)
        msg = jnp.zeros((h_src.shape[0], OUT_FEATS), dtype=h.dtype)
        for i in range(N_ETYPES):
            mi = h_src @ W[i].T + b[i]
            msg = jnp.where((etypes == i)[:, None], mi, msg)
        # sum aggregation into destination nodes (scatter-add)
        a = jax.ops.segment_sum(msg, dst, num_segments=h.shape[0])
        # NOTE: the torch module has no GRU, so h is NOT updated between steps;
        # each step recomputes a from the same h, and the final a is returned.
    return a

if __name__ == "__main__":
    import jax
    _d = setup_inputs()
    print(jax.jit(kernel)(*tuple(_d.values())))

</pallas_src>

<mosaic_0001>
#map = affine_map<(d0, d1) -> (0, 0)>
#map1 = affine_map<(d0, d1) -> (0)>
#map2 = affine_map<(d0, d1) -> (0, 0, 0)>
module attributes {stable_mosaic.version = 14 : i64} {
  func.func @_edge_kernel(%arg0: i32, %arg1: i32, %arg2: memref<40000x128xf32, #tpu.memory_space<hbm>>, %arg3: memref<320000xi32, #tpu.memory_space<hbm>>, %arg4: memref<2x10112x128xf32, #tpu.memory_space<hbm>>, %arg5: memref<12288xi32, #tpu.memory_space<vmem>>, %arg6: memref<2x96xi32, #tpu.memory_space<vmem>>, %arg7: memref<2x96xi32, #tpu.memory_space<vmem>>, %arg8: memref<96x128xf32, #tpu.memory_space<vmem>>, %arg9: memref<96x128xf32, #tpu.memory_space<vmem>>, %arg10: memref<10112x128xf32, #tpu.memory_space<vmem_shared>>, %arg11: memref<!tpu.dma_semaphore, #tpu.memory_space<semaphore_mem>>, %arg12: memref<!tpu.dma_semaphore, #tpu.memory_space<semaphore_mem>>, %arg13: memref<!tpu.dma_semaphore, #tpu.memory_space<semaphore_mem>>) attributes {dimension_semantics = [#tpu.dimension_semantics<core_parallel>, #tpu.dimension_semantics<subcore_parallel>], iteration_bounds = array<i64: 2, 16>, scalar_prefetch = 0 : i64, scratch_operands = 9 : i64, tpu.core_type = #tpu.core_type<sc_vector_subcore>, window_params = [{transform_indices = #map}, {transform_indices = #map1}, {transform_indices = #map2}]} {
    %mul3A = arith.constant 632 : i32
    %mul3A_0 = arith.muli %arg1, %mul3A : i32
    %eq3A = arith.constant 0 : i32
    %eq3A_1 = arith.cmpi eq, %arg0, %eq3A : i32
    %convert_element_type3A = arith.extui %eq3A_1 : i1 to i32
    %cond3A = arith.constant 0 : i32
    %cond3A_2 = arith.cmpi ne, %convert_element_type3A, %cond3A : i32
    scf.if %cond3A_2 {
      %mul3A_326 = arith.constant 12288 : i32
      %mul3A_327 = arith.muli %arg1, %mul3A_326 : i32
      %dma_start3A_328 = tpu.memref_slice %arg3[%mul3A_327] : memref<320000xi32, #tpu.memory_space<hbm>> -> memref<12288xi32, #tpu.memory_space<hbm>>
      %dma_start3A_329 = tpu.memref_slice %arg3[%mul3A_327] : memref<320000xi32, #tpu.memory_space<hbm>> -> memref<12288xi32, #tpu.memory_space<hbm>>
      tpu.enqueue_dma source(%dma_start3A_329 : memref<12288xi32, #tpu.memory_space<hbm>>) target(%arg5 : memref<12288xi32, #tpu.memory_space<vmem>>) target_semaphore(%arg11 : memref<!tpu.dma_semaphore, #tpu.memory_space<semaphore_mem>>)
    } else {
    }
    %eq3A_3 = arith.constant 1 : i32
    %eq3A_4 = arith.cmpi eq, %arg0, %eq3A_3 : i32
    %convert_element_type3A_5 = arith.extui %eq3A_4 : i1 to i32
    %cond3A_6 = arith.constant 0 : i32
    %cond3A_7 = arith.cmpi ne, %convert_element_type3A_5, %cond3A_6 : i32
    scf.if %cond3A_7 {
      %mul3A_326 = arith.constant 7712 : i32
      %mul3A_327 = arith.muli %arg1, %mul3A_326 : i32
      %add3A_328 = arith.constant 196608 : i32
      %add3A_329 = arith.addi %add3A_328, %mul3A_327 : i32
      %dma_start3A_330 = arith.constant 0 : i32
      %dma_start3A_331 = tpu.memref_slice %arg5[%dma_start3A_330] : memref<12288xi32, #tpu.memory_space<vmem>> -> memref<7712xi32, #tpu.memory_space<vmem>>
      %dma_start3A_332 = tpu.memref_slice %arg3[%add3A_329] : memref<320000xi32, #tpu.memory_space<hbm>> -> memref<7712xi32, #tpu.memory_space<hbm>>
      %dma_start3A_333 = arith.constant 0 : i32
      %dma_start3A_334 = tpu.memref_slice %arg5[%dma_start3A_333] : memref<12288xi32, #tpu.memory_space<vmem>> -> memref<7712xi32, #tpu.memory_space<vmem>>
      %dma_start3A_335 = tpu.memref_slice %arg3[%add3A_329] : memref<320000xi32, #tpu.memory_space<hbm>> -> memref<7712xi32, #tpu.memory_space<hbm>>
      tpu.enqueue_dma source(%dma_start3A_335 : memref<7712xi32, #tpu.memory_space<hbm>>) target(%dma_start3A_334 : memref<7712xi32, #tpu.memory_space<vmem>>) target_semaphore(%arg11 : memref<!tpu.dma_semaphore, #tpu.memory_space<semaphore_mem>>)
      %broadcast_in_dim3A = arith.constant 655360000 : i32
      %broadcast_in_dim3A_336 = vector.broadcast %broadcast_in_dim3A : i32 to vector<16xi32>
      %swap3A = arith.constant 7712 : index
      %swap3A_337 = tpu.vector_load %arg5[%swap3A] {strides = array<i32>} : memref<12288xi32, #tpu.memory_space<vmem>>, vector<16xi32>,
      %swap3A_338 = vector.shape_cast %swap3A_337 : vector<16xi32> to vector<16xi32>
      %swap3A_339 = vector.shape_cast %broadcast_in_dim3A_336 : vector<16xi32> to vector<16xi32>
      tpu.vector_store %arg5[%swap3A], %swap3A_339 {strides = array<i32>} : memref<12288xi32, #tpu.memory_space<vmem>>, vector<16xi32>,
      %broadcast_in_dim3A_340 = arith.constant 655360000 : i32
      %broadcast_in_dim3A_341 = vector.broadcast %broadcast_in_dim3A_340 : i32 to vector<16xi32>
      %swap3A_342 = arith.constant 7728 : index
      %swap3A_343 = tpu.vector_load %arg5[%swap3A_342] {strides = array<i32>} : memref<12288xi32, #tpu.memory_space<vmem>>, vector<16xi32>,
      %swap3A_344 = vector.shape_cast %swap3A_343 : vector<16xi32> to vector<16xi32>
      %swap3A_345 = vector.shape_cast %broadcast_in_dim3A_341 : vector<16xi32> to vector<16xi32>
      tpu.vector_store %arg5[%swap3A_342], %swap3A_345 {strides = array<i32>} : memref<12288xi32, #tpu.memory_space<vmem>>, vector<16xi32>,
      %broadcast_in_dim3A_346 = arith.constant 655360000 : i32
      %broadcast_in_dim3A_347 = vector.broadcast %broadcast_in_dim3A_346 : i32 to vector<16xi32>
      %swap3A_348 = arith.constant 7744 : index
      %swap3A_349 = tpu.vector_load %arg5[%swap3A_348] {strides = array<i32>} : memref<12288xi32, #tpu.memory_space<vmem>>, vector<16xi32>,
      %swap3A_350 = vector.shape_cast %swap3A_349 : vector<16xi32> to vector<16xi32>
      %swap3A_351 = vector.shape_cast %broadcast_in_dim3A_347 : vector<16xi32> to vector<16xi32>
      tpu.vector_store %arg5[%swap3A_348], %swap3A_351 {strides = array<i32>} : memref<12288xi32, #tpu.memory_space<vmem>>, vector<16xi32>,
      %broadcast_in_dim3A_352 = arith.constant 655360000 : i32
      %broadcast_in_dim3A_353 = vector.broadcast %broadcast_in_dim3A_352 : i32 to vector<16xi32>
      %swap3A_354 = arith.constant 7760 : index
      %swap3A_355 = tpu.vector_load %arg5[%swap3A_354] {strides = array<i32>} : memref<12288xi32, #tpu.memory_space<vmem>>, vector<16xi32>,
      %swap3A_356 = vector.shape_cast %swap3A_355 : vector<16xi32> to vector<16xi32>
      %swap3A_357 = vector.shape_cast %broadcast_in_dim3A_353 : vector<16xi32> to vector<16xi32>
      tpu.vector_store %arg5[%swap3A_354], %swap3A_357 {strides = array<i32>} : memref<12288xi32, #tpu.memory_space<vmem>>, vector<16xi32>,
      %broadcast_in_dim3A_358 = arith.constant 655360000 : i32
      %broadcast_in_dim3A_359 = vector.broadcast %broadcast_in_dim3A_358 : i32 to vector<16xi32>
      %swap3A_360 = arith.constant 7776 : index
      %swap3A_361 = tpu.vector_load %arg5[%swap3A_360] {strides = array<i32>} : memref<12288xi32, #tpu.memory_space<vmem>>, vector<16xi32>,
      %swap3A_362 = vector.shape_cast %swap3A_361 : vector<16xi32> to vector<16xi32>
      %swap3A_363 = vector.shape_cast %broadcast_in_dim3A_359 : vector<16xi32> to vector<16xi32>
      tpu.vector_store %arg5[%swap3A_360], %swap3A_363 {strides = array<i32>} : memref<12288xi32, #tpu.memory_space<vmem>>, vector<16xi32>,
      %broadcast_in_dim3A_364 = arith.constant 655360000 : i32
      %broadcast_in_dim3A_365 = vector.broadcast %broadcast_in_dim3A_364 : i32 to vector<16xi32>
      %swap3A_366 = arith.constant 7792 : index
      %swap3A_367 = tpu.vector_load %arg5[%swap3A_366] {strides = array<i32>} : memref<12288xi32, #tpu.memory_space<vmem>>, vector<16xi32>,
      %swap3A_368 = vector.shape_cast %swap3A_367 : vector<16xi32> to vector<16xi32>
      %swap3A_369 = vector.shape_cast %broadcast_in_dim3A_365 : vector<16xi32> to vector<16xi32>
      tpu.vector_store %arg5[%swap3A_366], %swap3A_369 {strides = array<i32>} : memref<12288xi32, #tpu.memory_space<vmem>>, vector<16xi32>,
      %broadcast_in_dim3A_370 = arith.constant 655360000 : i32
      %broadcast_in_dim3A_371 = vector.broadcast %broadcast_in_dim3A_370 : i32 to vector<16xi32>
      %swap3A_372 = arith.constant 7808 : index
      %swap3A_373 = tpu.vector_load %arg5[%swap3A_372] {strides = array<i32>} : memref<12288xi32, #tpu.memory_space<vmem>>, vector<16xi32>,
      %swap3A_374 = vector.shape_cast %swap3A_373 : vector<16xi32> to vector<16xi32>
      %swap3A_375 = vector.shape_cast %broadcast_in_dim3A_371 : vector<16xi32> to vector<16xi32>
      tpu.vector_store %arg5[%swap3A_372], %swap3A_375 {strides = array<i32>} : memref<12288xi32, #tpu.memory_space<vmem>>, vector<16xi32>,
      %broadcast_in_dim3A_376 = arith.constant 655360000 : i32
      %broadcast_in_dim3A_377 = vector.broadcast %broadcast_in_dim3A_376 : i32 to vector<16xi32>
      %swap3A_378 = arith.constant 7824 : index
      %swap3A_379 = tpu.vector_load %arg5[%swap3A_378] {strides = array<i32>} : memref<12288xi32, #tpu.memory_space<vmem>>, vector<16xi32>,
      %swap3A_380 = vector.shape_cast %swap3A_379 : vector<16xi32> to vector<16xi32>
      %swap3A_381 = vector.shape_cast %broadcast_in_dim3A_377 : vector<16xi32> to vector<16xi32>
      tpu.vector_store %arg5[%swap3A_378], %swap3A_381 {strides = array<i32>} : memref<12288xi32, #tpu.memory_space<vmem>>, vector<16xi32>,
      %broadcast_in_dim3A_382 = arith.constant 655360000 : i32
      %broadcast_in_dim3A_383 = vector.broadcast %broadcast_in_dim3A_382 : i32 to vector<16xi32>
      %swap3A_384 = arith.constant 7840 : index
      %swap3A_385 = tpu.vector_load %arg5[%swap3A_384] {strides = array<i32>} : memref<12288xi32, #tpu.memory_space<vmem>>, vector<16xi32>,
      %swap3A_386 = vector.shape_cast %swap3A_385 : vector<16xi32> to vector<16xi32>
      %swap3A_387 = vector.shape_cast %broadcast_in_dim3A_383 : vector<16xi32> to vector<16xi32>
      tpu.vector_store %arg5[%swap3A_384], %swap3A_387 {strides = array<i32>} : memref<12288xi32, #tpu.memory_space<vmem>>, vector<16xi32>,
      %broadcast_in_dim3A_388 = arith.constant 655360000 : i32
      %broadcast_in_dim3A_389 = vector.broadcast %broadcast_in_dim3A_388 : i32 to vector<16xi32>
      %swap3A_390 = arith.constant 7856 : index
      %swap3A_391 = tpu.vector_load %arg5[%swap3A_390] {strides = array<i32>} : memref<12288xi32, #tpu.memory_space<vmem>>, vector<16xi32>,
      %swap3A_392 = vector.shape_cast %swap3A_391 : vector<16xi32> to vector<16xi32>
      %swap3A_393 = vector.shape_cast %broadcast_in_dim3A_389 : vector<16xi32> to vector<16xi32>
      tpu.vector_store %arg5[%swap3A_390], %swap3A_393 {strides = array<i32>} : memref<12288xi32, #tpu.memory_space<vmem>>, vector<16xi32>,
    } else {
    }
    %scan3A = arith.constant 0 : i32
    %scan3A_8 = arith.constant 0 : i32
    %scan3A_9 = arith.constant 96 : i32
    %scan3A_10 = arith.addi %scan3A_8, %scan3A_9 : i32
    %scan3A_11 = arith.constant 1 : i32
    scf.for %scan3A_326 = %scan3A_8 to %scan3A_10 step %scan3A_11  : i32 {
      %broadcast_in_dim3A = arith.constant 0.000000e+00 : f32
      %broadcast_in_dim3A_327 = vector.broadcast %broadcast_in_dim3A : f32 to vector<16xf32>
      %swap3A = arith.index_cast %scan3A_326 : i32 to index
      %swap3A_328 = arith.constant 0 : index
      %swap3A_329 = tpu.vector_load %arg8[%swap3A, %swap3A_328] {strides = array<i32>} : memref<96x128xf32, #tpu.memory_space<vmem>>, vector<1x16xf32>,
      %swap3A_330 = vector.shape_cast %swap3A_329 : vector<1x16xf32> to vector<16xf32>
      %swap3A_331 = vector.shape_cast %broadcast_in_dim3A_327 : vector<16xf32> to vector<1x16xf32>
      tpu.vector_store %arg8[%swap3A, %swap3A_328], %swap3A_331 {strides = array<i32>} : memref<96x128xf32, #tpu.memory_space<vmem>>, vector<1x16xf32>,
      %broadcast_in_dim3A_332 = arith.constant 0.000000e+00 : f32
      %broadcast_in_dim3A_333 = vector.broadcast %broadcast_in_dim3A_332 : f32 to vector<16xf32>
      %swap3A_334 = arith.index_cast %scan3A_326 : i32 to index
      %swap3A_335 = arith.constant 16 : index
      %swap3A_336 = tpu.vector_load %arg8[%swap3A_334, %swap3A_335] {strides = array<i32>} : memref<96x128xf32, #tpu.memory_space<vmem>>, vector<1x16xf32>,
      %swap3A_337 = vector.shape_cast %swap3A_336 : vector<1x16xf32> to vector<16xf32>
      %swap3A_338 = vector.shape_cast %broadcast_in_dim3A_333 : vector<16xf32> to vector<1x16xf32>
      tpu.vector_store %arg8[%swap3A_334, %swap3A_335], %swap3A_338 {strides = array<i32>} : memref<96x128xf32, #tpu.memory_space<vmem>>, vector<1x16xf32>,
      %broadcast_in_dim3A_339 = arith.constant 0.000000e+00 : f32
      %broadcast_in_dim3A_340 = vector.broadcast %broadcast_in_dim3A_339 : f32 to vector<16xf32>
      %swap3A_341 = arith.index_cast %scan3A_326 : i32 to index
      %swap3A_342 = arith.constant 32 : index
      %swap3A_343 = tpu.vector_load %arg8[%swap3A_341, %swap3A_342] {strides = array<i32>} : memref<96x128xf32, #tpu.memory_space<vmem>>, vector<1x16xf32>,
      %swap3A_344 = vector.shape_cast %swap3A_343 : vector<1x16xf32> to vector<16xf32>
      %swap3A_345 = vector.shape_cast %broadcast_in_dim3A_340 : vector<16xf32> to vector<1x16xf32>
      tpu.vector_store %arg8[%swap3A_341, %swap3A_342], %swap3A_345 {strides = array<i32>} : memref<96x128xf32, #tpu.memory_space<vmem>>, vector<1x16xf32>,
      %broadcast_in_dim3A_346 = arith.constant 0.000000e+00 : f32
      %broadcast_in_dim3A_347 = vector.broadcast %broadcast_in_dim3A_346 : f32 to vector<16xf32>
      %swap3A_348 = arith.index_cast %scan3A_326 : i32 to index
      %swap3A_349 = arith.constant 48 : index
      %swap3A_350 = tpu.vector_load %arg8[%swap3A_348, %swap3A_349] {strides = array<i32>} : memref<96x128xf32, #tpu.memory_space<vmem>>, vector<1x16xf32>,
      %swap3A_351 = vector.shape_cast %swap3A_350 : vector<1x16xf32> to vector<16xf32>
      %swap3A_352 = vector.shape_cast %broadcast_in_dim3A_347 : vector<16xf32> to vector<1x16xf32>
      tpu.vector_store %arg8[%swap3A_348, %swap3A_349], %swap3A_352 {strides = array<i32>} : memref<96x128xf32, #tpu.memory_space<vmem>>, vector<1x16xf32>,
      %broadcast_in_dim3A_353 = arith.constant 0.000000e+00 : f32
      %broadcast_in_dim3A_354 = vector.broadcast %broadcast_in_dim3A_353 : f32 to vector<16xf32>
      %swap3A_355 = arith.index_cast %scan3A_326 : i32 to index
      %swap3A_356 = arith.constant 64 : index
      %swap3A_357 = tpu.vector_load %arg8[%swap3A_355, %swap3A_356] {strides = array<i32>} : memref<96x128xf32, #tpu.memory_space<vmem>>, vector<1x16xf32>,
      %swap3A_358 = vector.shape_cast %swap3A_357 : vector<1x16xf32> to vector<16xf32>
      %swap3A_359 = vector.shape_cast %broadcast_in_dim3A_354 : vector<16xf32> to vector<1x16xf32>
      tpu.vector_store %arg8[%swap3A_355, %swap3A_356], %swap3A_359 {strides = array<i32>} : memref<96x128xf32, #tpu.memory_space<vmem>>, vector<1x16xf32>,
      %broadcast_in_dim3A_360 = arith.constant 0.000000e+00 : f32
      %broadcast_in_dim3A_361 = vector.broadcast %broadcast_in_dim3A_360 : f32 to vector<16xf32>
      %swap3A_362 = arith.index_cast %scan3A_326 : i32 to index
      %swap3A_363 = arith.constant 80 : index
      %swap3A_364 = tpu.vector_load %arg8[%swap3A_362, %swap3A_363] {strides = array<i32>} : memref<96x128xf32, #tpu.memory_space<vmem>>, vector<1x16xf32>,
      %swap3A_365 = vector.shape_cast %swap3A_364 : vector<1x16xf32> to vector<16xf32>
      %swap3A_366 = vector.shape_cast %broadcast_in_dim3A_361 : vector<16xf32> to vector<1x16xf32>
      tpu.vector_store %arg8[%swap3A_362, %swap3A_363], %swap3A_366 {strides = array<i32>} : memref<96x128xf32, #tpu.memory_space<vmem>>, vector<1x16xf32>,
      %broadcast_in_dim3A_367 = arith.constant 0.000000e+00 : f32
      %broadcast_in_dim3A_368 = vector.broadcast %broadcast_in_dim3A_367 : f32 to vector<16xf32>
      %swap3A_369 = arith.index_cast %scan3A_326 : i32 to index
      %swap3A_370 = arith.constant 96 : index
      %swap3A_371 = tpu.vector_load %arg8[%swap3A_369, %swap3A_370] {strides = array<i32>} : memref<96x128xf32, #tpu.memory_space<vmem>>, vector<1x16xf32>,
      %swap3A_372 = vector.shape_cast %swap3A_371 : vector<1x16xf32> to vector<16xf32>
      %swap3A_373 = vector.shape_cast %broadcast_in_dim3A_368 : vector<16xf32> to vector<1x16xf32>
      tpu.vector_store %arg8[%swap3A_369, %swap3A_370], %swap3A_373 {strides = array<i32>} : memref<96x128xf32, #tpu.memory_space<vmem>>, vector<1x16xf32>,
      %broadcast_in_dim3A_374 = arith.constant 0.000000e+00 : f32
      %broadcast_in_dim3A_375 = vector.broadcast %broadcast_in_dim3A_374 : f32 to vector<16xf32>
      %swap3A_376 = arith.index_cast %scan3A_326 : i32 to index
      %swap3A_377 = arith.constant 112 : index
      %swap3A_378 = tpu.vector_load %arg8[%swap3A_376, %swap3A_377] {strides = array<i32>} : memref<96x128xf32, #tpu.memory_space<vmem>>, vector<1x16xf32>,
      %swap3A_379 = vector.shape_cast %swap3A_378 : vector<1x16xf32> to vector<16xf32>
      %swap3A_380 = vector.shape_cast %broadcast_in_dim3A_375 : vector<16xf32> to vector<1x16xf32>
      tpu.vector_store %arg8[%swap3A_376, %swap3A_377], %swap3A_380 {strides = array<i32>} : memref<96x128xf32, #tpu.memory_space<vmem>>, vector<1x16xf32>,
    }
    %scan3A_12 = arith.constant 96 : i32
    %add3A = arith.constant 0 : i32
    %add3A_13 = arith.addi %mul3A_0, %add3A : i32
    %dma_start3A = arith.constant 0 : i32
    %dma_start3A_14 = tpu.memref_slice %arg10[%add3A_13, %dma_start3A] : memref<10112x128xf32, #tpu.memory_space<vmem_shared>> -> memref<96x128xf32, #tpu.memory_space<vmem_shared>>
    %dma_start3A_15 = arith.constant 0 : i32
    %dma_start3A_16 = tpu.memref_slice %arg10[%add3A_13, %dma_start3A_15] : memref<10112x128xf32, #tpu.memory_space<vmem_shared>> -> memref<96x128xf32, #tpu.memory_space<vmem_shared>>
    tpu.enqueue_dma source(%arg8 : memref<96x128xf32, #tpu.memory_space<vmem>>) target(%dma_start3A_16 : memref<96x128xf32, #tpu.memory_space<vmem_shared>>) target_semaphore(%arg13 : memref<!tpu.dma_semaphore, #tpu.memory_space<semaphore_mem>>)
    %add3A_17 = arith.constant 96 : i32
    %add3A_18 = arith.addi %mul3A_0, %add3A_17 : i32
    %dma_start3A_19 = arith.constant 0 : i32
    %dma_start3A_20 = tpu.memref_slice %arg10[%add3A_18, %dma_start3A_19] : memref<10112x128xf32, #tpu.memory_space<vmem_shared>> -> memref<96x128xf32, #tpu.memory_space<vmem_shared>>
    %dma_start3A_21 = arith.constant 0 : i32
    %dma_start3A_22 = tpu.memref_slice %arg10[%add3A_18, %dma_start3A_21] : memref<10112x128xf32, #tpu.memory_space<vmem_shared>> -> memref<96x128xf32, #tpu.memory_space<vmem_shared>>
    tpu.enqueue_dma source(%arg8 : memref<96x128xf32, #tpu.memory_space<vmem>>) target(%dma_start3A_22 : memref<96x128xf32, #tpu.memory_space<vmem_shared>>) target_semaphore(%arg13 : memref<!tpu.dma_semaphore, #tpu.memory_space<semaphore_mem>>)
    %add3A_23 = arith.constant 192 : i32
    %add3A_24 = arith.addi %mul3A_0, %add3A_23 : i32
    %dma_start3A_25 = arith.constant 0 : i32
    %dma_start3A_26 = tpu.memref_slice %arg10[%add3A_24, %dma_start3A_25] : memref<10112x128xf32, #tpu.memory_space<vmem_shared>> -> memref<96x128xf32, #tpu.memory_space<vmem_shared>>
    %dma_start3A_27 = arith.constant 0 : i32
    %dma_start3A_28 = tpu.memref_slice %arg10[%add3A_24, %dma_start3A_27] : memref<10112x128xf32, #tpu.memory_space<vmem_shared>> -> memref<96x128xf32, #tpu.memory_space<vmem_shared>>
    tpu.enqueue_dma source(%arg8 : memref<96x128xf32, #tpu.memory_space<vmem>>) target(%dma_start3A_28 : memref<96x128xf32, #tpu.memory_space<vmem_shared>>) target_semaphore(%arg13 : memref<!tpu.dma_semaphore, #tpu.memory_space<semaphore_mem>>)
    %add3A_29 = arith.constant 288 : i32
    %add3A_30 = arith.addi %mul3A_0, %add3A_29 : i32
    %dma_start3A_31 = arith.constant 0 : i32
    %dma_start3A_32 = tpu.memref_slice %arg10[%add3A_30, %dma_start3A_31] : memref<10112x128xf32, #tpu.memory_space<vmem_shared>> -> memref<96x128xf32, #tpu.memory_space<vmem_shared>>
    %dma_start3A_33 = arith.constant 0 : i32
    %dma_start3A_34 = tpu.memref_slice %arg10[%add3A_30, %dma_start3A_33] : memref<10112x128xf32, #tpu.memory_space<vmem_shared>> -> memref<96x128xf32, #tpu.memory_space<vmem_shared>>
    tpu.enqueue_dma source(%arg8 : memref<96x128xf32, #tpu.memory_space<vmem>>) target(%dma_start3A_34 : memref<96x128xf32, #tpu.memory_space<vmem_shared>>) target_semaphore(%arg13 : memref<!tpu.dma_semaphore, #tpu.memory_space<semaphore_mem>>)
    %add3A_35 = arith.constant 384 : i32
    %add3A_36 = arith.addi %mul3A_0, %add3A_35 : i32
    %dma_start3A_37 = arith.constant 0 : i32
    %dma_start3A_38 = tpu.memref_slice %arg10[%add3A_36, %dma_start3A_37] : memref<10112x128xf32, #tpu.memory_space<vmem_shared>> -> memref<96x128xf32, #tpu.memory_space<vmem_shared>>
    %dma_start3A_39 = arith.constant 0 : i32
    %dma_start3A_40 = tpu.memref_slice %arg10[%add3A_36, %dma_start3A_39] : memref<10112x128xf32, #tpu.memory_space<vmem_shared>> -> memref<96x128xf32, #tpu.memory_space<vmem_shared>>
    tpu.enqueue_dma source(%arg8 : memref<96x128xf32, #tpu.memory_space<vmem>>) target(%dma_start3A_40 : memref<96x128xf32, #tpu.memory_space<vmem_shared>>) target_semaphore(%arg13 : memref<!tpu.dma_semaphore, #tpu.memory_space<semaphore_mem>>)
    %add3A_41 = arith.constant 480 : i32
    %add3A_42 = arith.addi %mul3A_0, %add3A_41 : i32
    %dma_start3A_43 = arith.constant 0 : i32
    %dma_start3A_44 = tpu.memref_slice %arg10[%add3A_42, %dma_start3A_43] : memref<10112x128xf32, #tpu.memory_space<vmem_shared>> -> memref<96x128xf32, #tpu.memory_space<vmem_shared>>
    %dma_start3A_45 = arith.constant 0 : i32
    %dma_start3A_46 = tpu.memref_slice %arg10[%add3A_42, %dma_start3A_45] : memref<10112x128xf32, #tpu.memory_space<vmem_shared>> -> memref<96x128xf32, #tpu.memory_space<vmem_shared>>
    tpu.enqueue_dma source(%arg8 : memref<96x128xf32, #tpu.memory_space<vmem>>) target(%dma_start3A_46 : memref<96x128xf32, #tpu.memory_space<vmem_shared>>) target_semaphore(%arg13 : memref<!tpu.dma_semaphore, #tpu.memory_space<semaphore_mem>>)
    %add3A_47 = arith.constant 576 : i32
    %add3A_48 = arith.addi %mul3A_0, %add3A_47 : i32
    %dma_start3A_49 = arith.constant 0 : i32
    %dma_start3A_50 = arith.constant 0 : i32
    %dma_start3A_51 = tpu.memref_slice %arg8[%dma_start3A_49, %dma_start3A_50] : memref<96x128xf32, #tpu.memory_space<vmem>> -> memref<56x128xf32, #tpu.memory_space<vmem>>
    %dma_start3A_52 = arith.constant 0 : i32
    %dma_start3A_53 = tpu.memref_slice %arg10[%add3A_48, %dma_start3A_52] : memref<10112x128xf32, #tpu.memory_space<vmem_shared>> -> memref<56x128xf32, #tpu.memory_space<vmem_shared>>
    %dma_start3A_54 = arith.constant 0 : i32
    %dma_start3A_55 = tpu.memref_slice %arg10[%add3A_48, %dma_start3A_54] : memref<10112x128xf32, #tpu.memory_space<vmem_shared>> -> memref<56x128xf32, #tpu.memory_space<vmem_shared>>
    %dma_start3A_56 = arith.constant 0 : i32
    %dma_start3A_57 = arith.constant 0 : i32
    %dma_start3A_58 = tpu.memref_slice %arg8[%dma_start3A_56, %dma_start3A_57] : memref<96x128xf32, #tpu.memory_space<vmem>> -> memref<56x128xf32, #tpu.memory_space<vmem>>
    tpu.enqueue_dma source(%dma_start3A_58 : memref<56x128xf32, #tpu.memory_space<vmem>>) target(%dma_start3A_55 : memref<56x128xf32, #tpu.memory_space<vmem_shared>>) target_semaphore(%arg13 : memref<!tpu.dma_semaphore, #tpu.memory_space<semaphore_mem>>)
    %add3A_59 = arith.constant 0 : i32
    %add3A_60 = arith.addi %mul3A_0, %add3A_59 : i32
    %dma_wait3A = arith.constant 0 : i32
    %dma_wait3A_61 = tpu.memref_slice %arg10[%add3A_60, %dma_wait3A] : memref<10112x128xf32, #tpu.memory_space<vmem_shared>> -> memref<96x128xf32, #tpu.memory_space<vmem_shared>>
    %dma_wait3A_62 = arith.constant 0 : i32
    %dma_wait3A_63 = tpu.memref_slice %arg10[%add3A_60, %dma_wait3A_62] : memref<10112x128xf32, #tpu.memory_space<vmem_shared>> -> memref<96x128xf32, #tpu.memory_space<vmem_shared>>
    tpu.wait_dma2 semaphore(%arg13 : memref<!tpu.dma_semaphore, #tpu.memory_space<semaphore_mem>>) src(%arg8 : memref<96x128xf32, #tpu.memory_space<vmem>>) dst(%dma_wait3A_63 : memref<96x128xf32, #tpu.memory_space<vmem_shared>>)
    %add3A_64 = arith.constant 96 : i32
    %add3A_65 = arith.addi %mul3A_0, %add3A_64 : i32
    %dma_wait3A_66 = arith.constant 0 : i32
    %dma_wait3A_67 = tpu.memref_slice %arg10[%add3A_65, %dma_wait3A_66] : memref<10112x128xf32, #tpu.memory_space<vmem_shared>> -> memref<96x128xf32, #tpu.memory_space<vmem_shared>>
    %dma_wait3A_68 = arith.constant 0 : i32
    %dma_wait3A_69 = tpu.memref_slice %arg10[%add3A_65, %dma_wait3A_68] : memref<10112x128xf32, #tpu.memory_space<vmem_shared>> -> memref<96x128xf32, #tpu.memory_space<vmem_shared>>
    tpu.wait_dma2 semaphore(%arg13 : memref<!tpu.dma_semaphore, #tpu.memory_space<semaphore_mem>>) src(%arg8 : memref<96x128xf32, #tpu.memory_space<vmem>>) dst(%dma_wait3A_69 : memref<96x128xf32, #tpu.memory_space<vmem_shared>>)
    %add3A_70 = arith.constant 192 : i32
    %add3A_71 = arith.addi %mul3A_0, %add3A_70 : i32
    %dma_wait3A_72 = arith.constant 0 : i32
    %dma_wait3A_73 = tpu.memref_slice %arg10[%add3A_71, %dma_wait3A_72] : memref<10112x128xf32, #tpu.memory_space<vmem_shared>> -> memref<96x128xf32, #tpu.memory_space<vmem_shared>>
    %dma_wait3A_74 = arith.constant 0 : i32
    %dma_wait3A_75 = tpu.memref_slice %arg10[%add3A_71, %dma_wait3A_74] : memref<10112x128xf32, #tpu.memory_space<vmem_shared>> -> memref<96x128xf32, #tpu.memory_space<vmem_shared>>
    tpu.wait_dma2 semaphore(%arg13 : memref<!tpu.dma_semaphore, #tpu.memory_space<semaphore_mem>>) src(%arg8 : memref<96x128xf32, #tpu.memory_space<vmem>>) dst(%dma_wait3A_75 : memref<96x128xf32, #tpu.memory_space<vmem_shared>>)
    %add3A_76 = arith.constant 288 : i32
    %add3A_77 = arith.addi %mul3A_0, %add3A_76 : i32
    %dma_wait3A_78 = arith.constant 0 : i32
    %dma_wait3A_79 = tpu.memref_slice %arg10[%add3A_77, %dma_wait3A_78] : memref<10112x128xf32, #tpu.memory_space<vmem_shared>> -> memref<96x128xf32, #tpu.memory_space<vmem_shared>>
    %dma_wait3A_80 = arith.constant 0 : i32
    %dma_wait3A_81 = tpu.memref_slice %arg10[%add3A_77, %dma_wait3A_80] : memref<10112x128xf32, #tpu.memory_space<vmem_shared>> -> memref<96x128xf32, #tpu.memory_space<vmem_shared>>
    tpu.wait_dma2 semaphore(%arg13 : memref<!tpu.dma_semaphore, #tpu.memory_space<semaphore_mem>>) src(%arg8 : memref<96x128xf32, #tpu.memory_space<vmem>>) dst(%dma_wait3A_81 : memref<96x128xf32, #tpu.memory_space<vmem_shared>>)
    %add3A_82 = arith.constant 384 : i32
    %add3A_83 = arith.addi %mul3A_0, %add3A_82 : i32
    %dma_wait3A_84 = arith.constant 0 : i32
    %dma_wait3A_85 = tpu.memref_slice %arg10[%add3A_83, %dma_wait3A_84] : memref<10112x128xf32, #tpu.memory_space<vmem_shared>> -> memref<96x128xf32, #tpu.memory_space<vmem_shared>>
    %dma_wait3A_86 = arith.constant 0 : i32
    %dma_wait3A_87 = tpu.memref_slice %arg10[%add3A_83, %dma_wait3A_86] : memref<10112x128xf32, #tpu.memory_space<vmem_shared>> -> memref<96x128xf32, #tpu.memory_space<vmem_shared>>
    tpu.wait_dma2 semaphore(%arg13 : memref<!tpu.dma_semaphore, #tpu.memory_space<semaphore_mem>>) src(%arg8 : memref<96x128xf32, #tpu.memory_space<vmem>>) dst(%dma_wait3A_87 : memref<96x128xf32, #tpu.memory_space<vmem_shared>>)
    %add3A_88 = arith.constant 480 : i32
    %add3A_89 = arith.addi %mul3A_0, %add3A_88 : i32
    %dma_wait3A_90 = arith.constant 0 : i32
    %dma_wait3A_91 = tpu.memref_slice %arg10[%add3A_89, %dma_wait3A_90] : memref<10112x128xf32, #tpu.memory_space<vmem_shared>> -> memref<96x128xf32, #tpu.memory_space<vmem_shared>>
    %dma_wait3A_92 = arith.constant 0 : i32
    %dma_wait3A_93 = tpu.memref_slice %arg10[%add3A_89, %dma_wait3A_92] : memref<10112x128xf32, #tpu.memory_space<vmem_shared>> -> memref<96x128xf32, #tpu.memory_space<vmem_shared>>
    tpu.wait_dma2 semaphore(%arg13 : memref<!tpu.dma_semaphore, #tpu.memory_space<semaphore_mem>>) src(%arg8 : memref<96x128xf32, #tpu.memory_space<vmem>>) dst(%dma_wait3A_93 : memref<96x128xf32, #tpu.memory_space<vmem_shared>>)
    %add3A_94 = arith.constant 576 : i32
    %add3A_95 = arith.addi %mul3A_0, %add3A_94 : i32
    %dma_wait3A_96 = arith.constant 0 : i32
    %dma_wait3A_97 = arith.constant 0 : i32
    %dma_wait3A_98 = tpu.memref_slice %arg8[%dma_wait3A_96, %dma_wait3A_97] : memref<96x128xf32, #tpu.memory_space<vmem>> -> memref<56x128xf32, #tpu.memory_space<vmem>>
    %dma_wait3A_99 = arith.constant 0 : i32
    %dma_wait3A_100 = tpu.memref_slice %arg10[%add3A_95, %dma_wait3A_99] : memref<10112x128xf32, #tpu.memory_space<vmem_shared>> -> memref<56x128xf32, #tpu.memory_space<vmem_shared>>
    %dma_wait3A_101 = arith.constant 0 : i32
    %dma_wait3A_102 = tpu.memref_slice %arg10[%add3A_95, %dma_wait3A_101] : memref<10112x128xf32, #tpu.memory_space<vmem_shared>> -> memref<56x128xf32, #tpu.memory_space<vmem_shared>>
    %dma_wait3A_103 = arith.constant 0 : i32
    %dma_wait3A_104 = arith.constant 0 : i32
    %dma_wait3A_105 = tpu.memref_slice %arg8[%dma_wait3A_103, %dma_wait3A_104] : memref<96x128xf32, #tpu.memory_space<vmem>> -> memref<56x128xf32, #tpu.memory_space<vmem>>
    tpu.wait_dma2 semaphore(%arg13 : memref<!tpu.dma_semaphore, #tpu.memory_space<semaphore_mem>>) src(%dma_wait3A_105 : memref<56x128xf32, #tpu.memory_space<vmem>>) dst(%dma_wait3A_102 : memref<56x128xf32, #tpu.memory_space<vmem_shared>>)
    %eq3A_106 = arith.constant 0 : i32
    %eq3A_107 = arith.cmpi eq, %arg0, %eq3A_106 : i32
    %convert_element_type3A_108 = arith.extui %eq3A_107 : i1 to i32
    %cond3A_109 = arith.constant 0 : i32
    %cond3A_110 = arith.cmpi ne, %convert_element_type3A_108, %cond3A_109 : i32
    scf.if %cond3A_110 {
      %mul3A_326 = arith.constant 12288 : i32
      %mul3A_327 = arith.muli %arg1, %mul3A_326 : i32
      %dma_wait3A_328 = tpu.memref_slice %arg3[%mul3A_327] : memref<320000xi32, #tpu.memory_space<hbm>> -> memref<12288xi32, #tpu.memory_space<hbm>>
      %dma_wait3A_329 = tpu.memref_slice %arg3[%mul3A_327] : memref<320000xi32, #tpu.memory_space<hbm>> -> memref<12288xi32, #tpu.memory_space<hbm>>
      tpu.wait_dma2 semaphore(%arg11 : memref<!tpu.dma_semaphore, #tpu.memory_space<semaphore_mem>>) src(%dma_wait3A_329 : memref<12288xi32, #tpu.memory_space<hbm>>) dst(%arg5 : memref<12288xi32, #tpu.memory_space<vmem>>)
    } else {
    }
    %eq3A_111 = arith.constant 1 : i32
    %eq3A_112 = arith.cmpi eq, %arg0, %eq3A_111 : i32
    %convert_element_type3A_113 = arith.extui %eq3A_112 : i1 to i32
    %cond3A_114 = arith.constant 0 : i32
    %cond3A_115 = arith.cmpi ne, %convert_element_type3A_113, %cond3A_114 : i32
    scf.if %cond3A_115 {
      %mul3A_326 = arith.constant 7712 : i32
      %mul3A_327 = arith.muli %arg1, %mul3A_326 : i32
      %add3A_328 = arith.constant 196608 : i32
      %add3A_329 = arith.addi %add3A_328, %mul3A_327 : i32
      %dma_wait3A_330 = arith.constant 0 : i32
      %dma_wait3A_331 = tpu.memref_slice %arg5[%dma_wait3A_330] : memref<12288xi32, #tpu.memory_space<vmem>> -> memref<7712xi32, #tpu.memory_space<vmem>>
      %dma_wait3A_332 = tpu.memref_slice %arg3[%add3A_329] : memref<320000xi32, #tpu.memory_space<hbm>> -> memref<7712xi32, #tpu.memory_space<hbm>>
      %dma_wait3A_333 = arith.constant 0 : i32
      %dma_wait3A_334 = tpu.memref_slice %arg5[%dma_wait3A_333] : memref<12288xi32, #tpu.memory_space<vmem>> -> memref<7712xi32, #tpu.memory_space<vmem>>
      %dma_wait3A_335 = tpu.memref_slice %arg3[%add3A_329] : memref<320000xi32, #tpu.memory_space<hbm>> -> memref<7712xi32, #tpu.memory_space<hbm>>
      tpu.wait_dma2 semaphore(%arg11 : memref<!tpu.dma_semaphore, #tpu.memory_space<semaphore_mem>>) src(%dma_wait3A_335 : memref<7712xi32, #tpu.memory_space<hbm>>) dst(%dma_wait3A_334 : memref<7712xi32, #tpu.memory_space<vmem>>)
    } else {
    }
    %barrier3A = arith.constant 0 : index
    tpu.barrier barrier_id(%barrier3A)
    %eq3A_116 = arith.constant 0 : i32
    %eq3A_117 = arith.cmpi eq, %arg0, %eq3A_116 : i32
    %select_n3A = arith.constant 41 : i32
    %select_n3A_118 = arith.constant 64 : i32
    %select_n3A_119 = arith.select %eq3A_117, %select_n3A_118, %select_n3A : i32
    %while3A = arith.constant 0 : i32
    %while3A_120 = arith.constant 0 : i32
    %while3A_121 = arith.subi %select_n3A_119, %while3A_120 : i32
    %while3A_122 = arith.addi %while3A_120, %while3A_121 : i32
    %while3A_123 = arith.constant 1 : i32
    %while3A_124 = arith.divsi %while3A_121, %while3A_123 : i32
    %while3A_125 = arith.muli %while3A_124, %while3A_123 : i32
    %while3A_126 = arith.addi %while3A_120, %while3A_125 : i32
    %while3A_127 = arith.constant 1 : i32
    scf.for %while3A_326 = %while3A_120 to %while3A_126 step %while3A_127  : i32 {
      %mul3A_327 = arith.constant 2 : i32
      %mul3A_328 = arith.muli %mul3A_327, %while3A_326 : i32
      %mul3A_329 = arith.constant 96 : i32
      %mul3A_330 = arith.muli %mul3A_328, %mul3A_329 : i32
      %add3A_331 = arith.constant 0 : i32
      %add3A_332 = arith.addi %mul3A_330, %add3A_331 : i32
      %add3A_333 = arith.constant 0 : i32
      %add3A_334 = arith.addi %add3A_332, %add3A_333 : i32
      %get3A = arith.index_cast %add3A_334 : i32 to index
      %get3A_335 = tpu.vector_load %arg5[%get3A] {strides = array<i32>} : memref<12288xi32, #tpu.memory_space<vmem>>, vector<16xi32>,
      %get3A_336 = vector.shape_cast %get3A_335 : vector<16xi32> to vector<16xi32>
      %and3A = arith.constant 65535 : i32
      %and3A_337 = vector.broadcast %and3A : i32 to vector<16xi32>
      %and3A_338 = arith.andi %get3A_336, %and3A_337 : vector<16xi32>
      %swap3A = arith.constant 0 : i32
      %swap3A_339 = arith.index_cast %swap3A : i32 to index
      %swap3A_340 = arith.constant 0 : index
      %swap3A_341 = tpu.vector_load %arg6[%swap3A_339, %swap3A_340] {strides = array<i32>} : memref<2x96xi32, #tpu.memory_space<vmem>>, vector<1x16xi32>,
      %swap3A_342 = vector.shape_cast %swap3A_341 : vector<1x16xi32> to vector<16xi32>
      %swap3A_343 = vector.shape_cast %and3A_338 : vector<16xi32> to vector<1x16xi32>
      tpu.vector_store %arg6[%swap3A_339, %swap3A_340], %swap3A_343 {strides = array<i32>} : memref<2x96xi32, #tpu.memory_space<vmem>>, vector<1x16xi32>,
      %shift_right_logical3A = arith.constant 16 : i32
      %shift_right_logical3A_344 = vector.broadcast %shift_right_logical3A : i32 to vector<16xi32>
      %shift_right_logical3A_345 = arith.shrui %get3A_336, %shift_right_logical3A_344 : vector<16xi32>
      %swap3A_346 = arith.constant 0 : i32
      %swap3A_347 = arith.index_cast %swap3A_346 : i32 to index
      %swap3A_348 = arith.constant 0 : index
      %swap3A_349 = tpu.vector_load %arg7[%swap3A_347, %swap3A_348] {strides = array<i32>} : memref<2x96xi32, #tpu.memory_space<vmem>>, vector<1x16xi32>,
      %swap3A_350 = vector.shape_cast %swap3A_349 : vector<1x16xi32> to vector<16xi32>
      %swap3A_351 = vector.shape_cast %shift_right_logical3A_345 : vector<16xi32> to vector<1x16xi32>
      tpu.vector_store %arg7[%swap3A_347, %swap3A_348], %swap3A_351 {strides = array<i32>} : memref<2x96xi32, #tpu.memory_space<vmem>>, vector<1x16xi32>,
      %add3A_352 = arith.constant 0 : i32
      %add3A_353 = arith.addi %mul3A_330, %add3A_352 : i32
      %add3A_354 = arith.constant 16 : i32
      %add3A_355 = arith.addi %add3A_353, %add3A_354 : i32
      %get3A_356 = arith.index_cast %add3A_355 : i32 to index
      %get3A_357 = tpu.vector_load %arg5[%get3A_356] {strides = array<i32>} : memref<12288xi32, #tpu.memory_space<vmem>>, vector<16xi32>,
      %get3A_358 = vector.shape_cast %get3A_357 : vector<16xi32> to vector<16xi32>
      %and3A_359 = arith.constant 65535 : i32
      %and3A_360 = vector.broadcast %and3A_359 : i32 to vector<16xi32>
      %and3A_361 = arith.andi %get3A_358, %and3A_360 : vector<16xi32>
      %swap3A_362 = arith.constant 0 : i32
      %swap3A_363 = arith.index_cast %swap3A_362 : i32 to index
      %swap3A_364 = arith.constant 16 : index
      %swap3A_365 = tpu.vector_load %arg6[%swap3A_363, %swap3A_364] {strides = array<i32>} : memref<2x96xi32, #tpu.memory_space<vmem>>, vector<1x16xi32>,
      %swap3A_366 = vector.shape_cast %swap3A_365 : vector<1x16xi32> to vector<16xi32>
      %swap3A_367 = vector.shape_cast %and3A_361 : vector<16xi32> to vector<1x16xi32>
      tpu.vector_store %arg6[%swap3A_363, %swap3A_364], %swap3A_367 {strides = array<i32>} : memref<2x96xi32, #tpu.memory_space<vmem>>, vector<1x16xi32>,
      %shift_right_logical3A_368 = arith.constant 16 : i32
      %shift_right_logical3A_369 = vector.broadcast %shift_right_logical3A_368 : i32 to vector<16xi32>
      %shift_right_logical3A_370 = arith.shrui %get3A_358, %shift_right_logical3A_369 : vector<16xi32>
      %swap3A_371 = arith.constant 0 : i32
      %swap3A_372 = arith.index_cast %swap3A_371 : i32 to index
      %swap3A_373 = arith.constant 16 : index
      %swap3A_374 = tpu.vector_load %arg7[%swap3A_372, %swap3A_373] {strides = array<i32>} : memref<2x96xi32, #tpu.memory_space<vmem>>, vector<1x16xi32>,
      %swap3A_375 = vector.shape_cast %swap3A_374 : vector<1x16xi32> to vector<16xi32>
      %swap3A_376 = vector.shape_cast %shift_right_logical3A_370 : vector<16xi32> to vector<1x16xi32>
      tpu.vector_store %arg7[%swap3A_372, %swap3A_373], %swap3A_376 {strides = array<i32>} : memref<2x96xi32, #tpu.memory_space<vmem>>, vector<1x16xi32>,
      %add3A_377 = arith.constant 0 : i32
      %add3A_378 = arith.addi %mul3A_330, %add3A_377 : i32
      %add3A_379 = arith.constant 32 : i32
      %add3A_380 = arith.addi %add3A_378, %add3A_379 : i32
      %get3A_381 = arith.index_cast %add3A_380 : i32 to index
      %get3A_382 = tpu.vector_load %arg5[%get3A_381] {strides = array<i32>} : memref<12288xi32, #tpu.memory_space<vmem>>, vector<16xi32>,
      %get3A_383 = vector.shape_cast %get3A_382 : vector<16xi32> to vector<16xi32>
      %and3A_384 = arith.constant 65535 : i32
      %and3A_385 = vector.broadcast %and3A_384 : i32 to vector<16xi32>
      %and3A_386 = arith.andi %get3A_383, %and3A_385 : vector<16xi32>
      %swap3A_387 = arith.constant 0 : i32
      %swap3A_388 = arith.index_cast %swap3A_387 : i32 to index
      %swap3A_389 = arith.constant 32 : index
      %swap3A_390 = tpu.vector_load %arg6[%swap3A_388, %swap3A_389] {strides = array<i32>} : memref<2x96xi32, #tpu.memory_space<vmem>>, vector<1x16xi32>,
      %swap3A_391 = vector.shape_cast %swap3A_390 : vector<1x16xi32> to vector<16xi32>
      %swap3A_392 = vector.shape_cast %and3A_386 : vector<16xi32> to vector<1x16xi32>
      tpu.vector_store %arg6[%swap3A_388, %swap3A_389], %swap3A_392 {strides = array<i32>} : memref<2x96xi32, #tpu.memory_space<vmem>>, vector<1x16xi32>,
      %shift_right_logical3A_393 = arith.constant 16 : i32
      %shift_right_logical3A_394 = vector.broadcast %shift_right_logical3A_393 : i32 to vector<16xi32>
      %shift_right_logical3A_395 = arith.shrui %get3A_383, %shift_right_logical3A_394 : vector<16xi32>
      %swap3A_396 = arith.constant 0 : i32
      %swap3A_397 = arith.index_cast %swap3A_396 : i32 to index
      %swap3A_398 = arith.constant 32 : index
      %swap3A_399 = tpu.vector_load %arg7[%swap3A_397, %swap3A_398] {strides = array<i32>} : memref<2x96xi32, #tpu.memory_space<vmem>>, vector<1x16xi32>,
      %swap3A_400 = vector.shape_cast %swap3A_399 : vector<1x16xi32> to vector<16xi32>
      %swap3A_401 = vector.shape_cast %shift_right_logical3A_395 : vector<16xi32> to vector<1x16xi32>
      tpu.vector_store %arg7[%swap3A_397, %swap3A_398], %swap3A_401 {strides = array<i32>} : memref<2x96xi32, #tpu.memory_space<vmem>>, vector<1x16xi32>,
      %add3A_402 = arith.constant 0 : i32
      %add3A_403 = arith.addi %mul3A_330, %add3A_402 : i32
      %add3A_404 = arith.constant 48 : i32
      %add3A_405 = arith.addi %add3A_403, %add3A_404 : i32
      %get3A_406 = arith.index_cast %add3A_405 : i32 to index
      %get3A_407 = tpu.vector_load %arg5[%get3A_406] {strides = array<i32>} : memref<12288xi32, #tpu.memory_space<vmem>>, vector<16xi32>,
      %get3A_408 = vector.shape_cast %get3A_407 : vector<16xi32> to vector<16xi32>
      %and3A_409 = arith.constant 65535 : i32
      %and3A_410 = vector.broadcast %and3A_409 : i32 to vector<16xi32>
      %and3A_411 = arith.andi %get3A_408, %and3A_410 : vector<16xi32>
      %swap3A_412 = arith.constant 0 : i32
      %swap3A_413 = arith.index_cast %swap3A_412 : i32 to index
      %swap3A_414 = arith.constant 48 : index
      %swap3A_415 = tpu.vector_load %arg6[%swap3A_413, %swap3A_414] {strides = array<i32>} : memref<2x96xi32, #tpu.memory_space<vmem>>, vector<1x16xi32>,
      %swap3A_416 = vector.shape_cast %swap3A_415 : vector<1x16xi32> to vector<16xi32>
      %swap3A_417 = vector.shape_cast %and3A_411 : vector<16xi32> to vector<1x16xi32>
      tpu.vector_store %arg6[%swap3A_413, %swap3A_414], %swap3A_417 {strides = array<i32>} : memref<2x96xi32, #tpu.memory_space<vmem>>, vector<1x16xi32>,
      %shift_right_logical3A_418 = arith.constant 16 : i32
      %shift_right_logical3A_419 = vector.broadcast %shift_right_logical3A_418 : i32 to vector<16xi32>
      %shift_right_logical3A_420 = arith.shrui %get3A_408, %shift_right_logical3A_419 : vector<16xi32>
      %swap3A_421 = arith.constant 0 : i32
      %swap3A_422 = arith.index_cast %swap3A_421 : i32 to index
      %swap3A_423 = arith.constant 48 : index
      %swap3A_424 = tpu.vector_load %arg7[%swap3A_422, %swap3A_423] {strides = array<i32>} : memref<2x96xi32, #tpu.memory_space<vmem>>, vector<1x16xi32>,
      %swap3A_425 = vector.shape_cast %swap3A_424 : vector<1x16xi32> to vector<16xi32>
      %swap3A_426 = vector.shape_cast %shift_right_logical3A_420 : vector<16xi32> to vector<1x16xi32>
      tpu.vector_store %arg7[%swap3A_422, %swap3A_423], %swap3A_426 {strides = array<i32>} : memref<2x96xi32, #tpu.memory_space<vmem>>, vector<1x16xi32>,
      %add3A_427 = arith.constant 0 : i32
      %add3A_428 = arith.addi %mul3A_330, %add3A_427 : i32
      %add3A_429 = arith.constant 64 : i32
      %add3A_430 = arith.addi %add3A_428, %add3A_429 : i32
      %get3A_431 = arith.index_cast %add3A_430 : i32 to index
      %get3A_432 = tpu.vector_load %arg5[%get3A_431] {strides = array<i32>} : memref<12288xi32, #tpu.memory_space<vmem>>, vector<16xi32>,
      %get3A_433 = vector.shape_cast %get3A_432 : vector<16xi32> to vector<16xi32>
      %and3A_434 = arith.constant 65535 : i32
      %and3A_435 = vector.broadcast %and3A_434 : i32 to vector<16xi32>
      %and3A_436 = arith.andi %get3A_433, %and3A_435 : vector<16xi32>
      %swap3A_437 = arith.constant 0 : i32
      %swap3A_438 = arith.index_cast %swap3A_437 : i32 to index
      %swap3A_439 = arith.constant 64 : index
      %swap3A_440 = tpu.vector_load %arg6[%swap3A_438, %swap3A_439] {strides = array<i32>} : memref<2x96xi32, #tpu.memory_space<vmem>>, vector<1x16xi32>,
      %swap3A_441 = vector.shape_cast %swap3A_440 : vector<1x16xi32> to vector<16xi32>
      %swap3A_442 = vector.shape_cast %and3A_436 : vector<16xi32> to vector<1x16xi32>
      tpu.vector_store %arg6[%swap3A_438, %swap3A_439], %swap3A_442 {strides = array<i32>} : memref<2x96xi32, #tpu.memory_space<vmem>>, vector<1x16xi32>,
      %shift_right_logical3A_443 = arith.constant 16 : i32
      %shift_right_logical3A_444 = vector.broadcast %shift_right_logical3A_443 : i32 to vector<16xi32>
      %shift_right_logical3A_445 = arith.shrui %get3A_433, %shift_right_logical3A_444 : vector<16xi32>
      %swap3A_446 = arith.constant 0 : i32
      %swap3A_447 = arith.index_cast %swap3A_446 : i32 to index
      %swap3A_448 = arith.constant 64 : index
      %swap3A_449 = tpu.vector_load %arg7[%swap3A_447, %swap3A_448] {strides = array<i32>} : memref<2x96xi32, #tpu.memory_space<vmem>>, vector<1x16xi32>,
      %swap3A_450 = vector.shape_cast %swap3A_449 : vector<1x16xi32> to vector<16xi32>
      %swap3A_451 = vector.shape_cast %shift_right_logical3A_445 : vector<16xi32> to vector<1x16xi32>
      tpu.vector_store %arg7[%swap3A_447, %swap3A_448], %swap3A_451 {strides = array<i32>} : memref<2x96xi32, #tpu.memory_space<vmem>>, vector<1x16xi32>,
      %add3A_452 = arith.constant 0 : i32
      %add3A_453 = arith.addi %mul3A_330, %add3A_452 : i32
      %add3A_454 = arith.constant 80 : i32
      %add3A_455 = arith.addi %add3A_453, %add3A_454 : i32
      %get3A_456 = arith.index_cast %add3A_455 : i32 to index
      %get3A_457 = tpu.vector_load %arg5[%get3A_456] {strides = array<i32>} : memref<12288xi32, #tpu.memory_space<vmem>>, vector<16xi32>,
      %get3A_458 = vector.shape_cast %get3A_457 : vector<16xi32> to vector<16xi32>
      %and3A_459 = arith.constant 65535 : i32
      %and3A_460 = vector.broadcast %and3A_459 : i32 to vector<16xi32>
      %and3A_461 = arith.andi %get3A_458, %and3A_460 : vector<16xi32>
      %swap3A_462 = arith.constant 0 : i32
      %swap3A_463 = arith.index_cast %swap3A_462 : i32 to index
      %swap3A_464 = arith.constant 80 : index
      %swap3A_465 = tpu.vector_load %arg6[%swap3A_463, %swap3A_464] {strides = array<i32>} : memref<2x96xi32, #tpu.memory_space<vmem>>, vector<1x16xi32>,
      %swap3A_466 = vector.shape_cast %swap3A_465 : vector<1x16xi32> to vector<16xi32>
      %swap3A_467 = vector.shape_cast %and3A_461 : vector<16xi32> to vector<1x16xi32>
      tpu.vector_store %arg6[%swap3A_463, %swap3A_464], %swap3A_467 {strides = array<i32>} : memref<2x96xi32, #tpu.memory_space<vmem>>, vector<1x16xi32>,
      %shift_right_logical3A_468 = arith.constant 16 : i32
      %shift_right_logical3A_469 = vector.broadcast %shift_right_logical3A_468 : i32 to vector<16xi32>
      %shift_right_logical3A_470 = arith.shrui %get3A_458, %shift_right_logical3A_469 : vector<16xi32>
      %swap3A_471 = arith.constant 0 : i32
      %swap3A_472 = arith.index_cast %swap3A_471 : i32 to index
      %swap3A_473 = arith.constant 80 : index
      %swap3A_474 = tpu.vector_load %arg7[%swap3A_472, %swap3A_473] {strides = array<i32>} : memref<2x96xi32, #tpu.memory_space<vmem>>, vector<1x16xi32>,
      %swap3A_475 = vector.shape_cast %swap3A_474 : vector<1x16xi32> to vector<16xi32>
      %swap3A_476 = vector.shape_cast %shift_right_logical3A_470 : vector<16xi32> to vector<1x16xi32>
      tpu.vector_store %arg7[%swap3A_472, %swap3A_473], %swap3A_476 {strides = array<i32>} : memref<2x96xi32, #tpu.memory_space<vmem>>, vector<1x16xi32>,
      %add3A_477 = arith.constant 96 : i32
      %add3A_478 = arith.addi %mul3A_330, %add3A_477 : i32
      %add3A_479 = arith.constant 0 : i32
      %add3A_480 = arith.addi %add3A_478, %add3A_479 : i32
      %get3A_481 = arith.index_cast %add3A_480 : i32 to index
      %get3A_482 = tpu.vector_load %arg5[%get3A_481] {strides = array<i32>} : memref<12288xi32, #tpu.memory_space<vmem>>, vector<16xi32>,
      %get3A_483 = vector.shape_cast %get3A_482 : vector<16xi32> to vector<16xi32>
      %and3A_484 = arith.constant 65535 : i32
      %and3A_485 = vector.broadcast %and3A_484 : i32 to vector<16xi32>
      %and3A_486 = arith.andi %get3A_483, %and3A_485 : vector<16xi32>
      %swap3A_487 = arith.constant 1 : i32
      %swap3A_488 = arith.index_cast %swap3A_487 : i32 to index
      %swap3A_489 = arith.constant 0 : index
      %swap3A_490 = tpu.vector_load %arg6[%swap3A_488, %swap3A_489] {strides = array<i32>} : memref<2x96xi32, #tpu.memory_space<vmem>>, vector<1x16xi32>,
      %swap3A_491 = vector.shape_cast %swap3A_490 : vector<1x16xi32> to vector<16xi32>
      %swap3A_492 = vector.shape_cast %and3A_486 : vector<16xi32> to vector<1x16xi32>
      tpu.vector_store %arg6[%swap3A_488, %swap3A_489], %swap3A_492 {strides = array<i32>} : memref<2x96xi32, #tpu.memory_space<vmem>>, vector<1x16xi32>,
      %shift_right_logical3A_493 = arith.constant 16 : i32
      %shift_right_logical3A_494 = vector.broadcast %shift_right_logical3A_493 : i32 to vector<16xi32>
      %shift_right_logical3A_495 = arith.shrui %get3A_483, %shift_right_logical3A_494 : vector<16xi32>
      %swap3A_496 = arith.constant 1 : i32
      %swap3A_497 = arith.index_cast %swap3A_496 : i32 to index
      %swap3A_498 = arith.constant 0 : index
      %swap3A_499 = tpu.vector_load %arg7[%swap3A_497, %swap3A_498] {strides = array<i32>} : memref<2x96xi32, #tpu.memory_space<vmem>>, vector<1x16xi32>,
      %swap3A_500 = vector.shape_cast %swap3A_499 : vector<1x16xi32> to vector<16xi32>
      %swap3A_501 = vector.shape_cast %shift_right_logical3A_495 : vector<16xi32> to vector<1x16xi32>
      tpu.vector_store %arg7[%swap3A_497, %swap3A_498], %swap3A_501 {strides = array<i32>} : memref<2x96xi32, #tpu.memory_space<vmem>>, vector<1x16xi32>,
      %add3A_502 = arith.constant 96 : i32
      %add3A_503 = arith.addi %mul3A_330, %add3A_502 : i32
      %add3A_504 = arith.constant 16 : i32
      %add3A_505 = arith.addi %add3A_503, %add3A_504 : i32
      %get3A_506 = arith.index_cast %add3A_505 : i32 to index
      %get3A_507 = tpu.vector_load %arg5[%get3A_506] {strides = array<i32>} : memref<12288xi32, #tpu.memory_space<vmem>>, vector<16xi32>,
      %get3A_508 = vector.shape_cast %get3A_507 : vector<16xi32> to vector<16xi32>
      %and3A_509 = arith.constant 65535 : i32
      %and3A_510 = vector.broadcast %and3A_509 : i32 to vector<16xi32>
      %and3A_511 = arith.andi %get3A_508, %and3A_510 : vector<16xi32>
      %swap3A_512 = arith.constant 1 : i32
      %swap3A_513 = arith.index_cast %swap3A_512 : i32 to index
      %swap3A_514 = arith.constant 16 : index
      %swap3A_515 = tpu.vector_load %arg6[%swap3A_513, %swap3A_514] {strides = array<i32>} : memref<2x96xi32, #tpu.memory_space<vmem>>, vector<1x16xi32>,
      %swap3A_516 = vector.shape_cast %swap3A_515 : vector<1x16xi32> to vector<16xi32>
      %swap3A_517 = vector.shape_cast %and3A_511 : vector<16xi32> to vector<1x16xi32>
      tpu.vector_store %arg6[%swap3A_513, %swap3A_514], %swap3A_517 {strides = array<i32>} : memref<2x96xi32, #tpu.memory_space<vmem>>, vector<1x16xi32>,
      %shift_right_logical3A_518 = arith.constant 16 : i32
      %shift_right_logical3A_519 = vector.broadcast %shift_right_logical3A_518 : i32 to vector<16xi32>
      %shift_right_logical3A_520 = arith.shrui %get3A_508, %shift_right_logical3A_519 : vector<16xi32>
      %swap3A_521 = arith.constant 1 : i32
      %swap3A_522 = arith.index_cast %swap3A_521 : i32 to index
      %swap3A_523 = arith.constant 16 : index
      %swap3A_524 = tpu.vector_load %arg7[%swap3A_522, %swap3A_523] {strides = array<i32>} : memref<2x96xi32, #tpu.memory_space<vmem>>, vector<1x16xi32>,
      %swap3A_525 = vector.shape_cast %swap3A_524 : vector<1x16xi32> to vector<16xi32>
      %swap3A_526 = vector.shape_cast %shift_right_logical3A_520 : vector<16xi32> to vector<1x16xi32>
      tpu.vector_store %arg7[%swap3A_522, %swap3A_523], %swap3A_526 {strides = array<i32>} : memref<2x96xi32, #tpu.memory_space<vmem>>, vector<1x16xi32>,
      %add3A_527 = arith.constant 96 : i32
      %add3A_528 = arith.addi %mul3A_330, %add3A_527 : i32
      %add3A_529 = arith.constant 32 : i32
      %add3A_530 = arith.addi %add3A_528, %add3A_529 : i32
      %get3A_531 = arith.index_cast %add3A_530 : i32 to index
      %get3A_532 = tpu.vector_load %arg5[%get3A_531] {strides = array<i32>} : memref<12288xi32, #tpu.memory_space<vmem>>, vector<16xi32>,
      %get3A_533 = vector.shape_cast %get3A_532 : vector<16xi32> to vector<16xi32>
      %and3A_534 = arith.constant 65535 : i32
      %and3A_535 = vector.broadcast %and3A_534 : i32 to vector<16xi32>
      %and3A_536 = arith.andi %get3A_533, %and3A_535 : vector<16xi32>
      %swap3A_537 = arith.constant 1 : i32
      %swap3A_538 = arith.index_cast %swap3A_537 : i32 to index
      %swap3A_539 = arith.constant 32 : index
      %swap3A_540 = tpu.vector_load %arg6[%swap3A_538, %swap3A_539] {strides = array<i32>} : memref<2x96xi32, #tpu.memory_space<vmem>>, vector<1x16xi32>,
      %swap3A_541 = vector.shape_cast %swap3A_540 : vector<1x16xi32> to vector<16xi32>
      %swap3A_542 = vector.shape_cast %and3A_536 : vector<16xi32> to vector<1x16xi32>
      tpu.vector_store %arg6[%swap3A_538, %swap3A_539], %swap3A_542 {strides = array<i32>} : memref<2x96xi32, #tpu.memory_space<vmem>>, vector<1x16xi32>,
      %shift_right_logical3A_543 = arith.constant 16 : i32
      %shift_right_logical3A_544 = vector.broadcast %shift_right_logical3A_543 : i32 to vector<16xi32>
      %shift_right_logical3A_545 = arith.shrui %get3A_533, %shift_right_logical3A_544 : vector<16xi32>
      %swap3A_546 = arith.constant 1 : i32
      %swap3A_547 = arith.index_cast %swap3A_546 : i32 to index
      %swap3A_548 = arith.constant 32 : index
      %swap3A_549 = tpu.vector_load %arg7[%swap3A_547, %swap3A_548] {strides = array<i32>} : memref<2x96xi32, #tpu.memory_space<vmem>>, vector<1x16xi32>,
      %swap3A_550 = vector.shape_cast %swap3A_549 : vector<1x16xi32> to vector<16xi32>
      %swap3A_551 = vector.shape_cast %shift_right_logical3A_545 : vector<16xi32> to vector<1x16xi32>
      tpu.vector_store %arg7[%swap3A_547, %swap3A_548], %swap3A_551 {strides = array<i32>} : memref<2x96xi32, #tpu.memory_space<vmem>>, vector<1x16xi32>,
      %add3A_552 = arith.constant 96 : i32
      %add3A_553 = arith.addi %mul3A_330, %add3A_552 : i32
      %add3A_554 = arith.constant 48 : i32
      %add3A_555 = arith.addi %add3A_553, %add3A_554 : i32
      %get3A_556 = arith.index_cast %add3A_555 : i32 to index
      %get3A_557 = tpu.vector_load %arg5[%get3A_556] {strides = array<i32>} : memref<12288xi32, #tpu.memory_space<vmem>>, vector<16xi32>,
      %get3A_558 = vector.shape_cast %get3A_557 : vector<16xi32> to vector<16xi32>
      %and3A_559 = arith.constant 65535 : i32
      %and3A_560 = vector.broadcast %and3A_559 : i32 to vector<16xi32>
      %and3A_561 = arith.andi %get3A_558, %and3A_560 : vector<16xi32>
      %swap3A_562 = arith.constant 1 : i32
      %swap3A_563 = arith.index_cast %swap3A_562 : i32 to index
      %swap3A_564 = arith.constant 48 : index
      %swap3A_565 = tpu.vector_load %arg6[%swap3A_563, %swap3A_564] {strides = array<i32>} : memref<2x96xi32, #tpu.memory_space<vmem>>, vector<1x16xi32>,
      %swap3A_566 = vector.shape_cast %swap3A_565 : vector<1x16xi32> to vector<16xi32>
      %swap3A_567 = vector.shape_cast %and3A_561 : vector<16xi32> to vector<1x16xi32>
      tpu.vector_store %arg6[%swap3A_563, %swap3A_564], %swap3A_567 {strides = array<i32>} : memref<2x96xi32, #tpu.memory_space<vmem>>, vector<1x16xi32>,
      %shift_right_logical3A_568 = arith.constant 16 : i32
      %shift_right_logical3A_569 = vector.broadcast %shift_right_logical3A_568 : i32 to vector<16xi32>
      %shift_right_logical3A_570 = arith.shrui %get3A_558, %shift_right_logical3A_569 : vector<16xi32>
      %swap3A_571 = arith.constant 1 : i32
      %swap3A_572 = arith.index_cast %swap3A_571 : i32 to index
      %swap3A_573 = arith.constant 48 : index
      %swap3A_574 = tpu.vector_load %arg7[%swap3A_572, %swap3A_573] {strides = array<i32>} : memref<2x96xi32, #tpu.memory_space<vmem>>, vector<1x16xi32>,
      %swap3A_575 = vector.shape_cast %swap3A_574 : vector<1x16xi32> to vector<16xi32>
      %swap3A_576 = vector.shape_cast %shift_right_logical3A_570 : vector<16xi32> to vector<1x16xi32>
      tpu.vector_store %arg7[%swap3A_572, %swap3A_573], %swap3A_576 {strides = array<i32>} : memref<2x96xi32, #tpu.memory_space<vmem>>, vector<1x16xi32>,
      %add3A_577 = arith.constant 96 : i32
      %add3A_578 = arith.addi %mul3A_330, %add3A_577 : i32
      %add3A_579 = arith.constant 64 : i32
      %add3A_580 = arith.addi %add3A_578, %add3A_579 : i32
      %get3A_581 = arith.index_cast %add3A_580 : i32 to index
      %get3A_582 = tpu.vector_load %arg5[%get3A_581] {strides = array<i32>} : memref<12288xi32, #tpu.memory_space<vmem>>, vector<16xi32>,
      %get3A_583 = vector.shape_cast %get3A_582 : vector<16xi32> to vector<16xi32>
      %and3A_584 = arith.constant 65535 : i32
      %and3A_585 = vector.broadcast %and3A_584 : i32 to vector<16xi32>
      %and3A_586 = arith.andi %get3A_583, %and3A_585 : vector<16xi32>
      %swap3A_587 = arith.constant 1 : i32
      %swap3A_588 = arith.index_cast %swap3A_587 : i32 to index
      %swap3A_589 = arith.constant 64 : index
      %swap3A_590 = tpu.vector_load %arg6[%swap3A_588, %swap3A_589] {strides = array<i32>} : memref<2x96xi32, #tpu.memory_space<vmem>>, vector<1x16xi32>,
      %swap3A_591 = vector.shape_cast %swap3A_590 : vector<1x16xi32> to vector<16xi32>
      %swap3A_592 = vector.shape_cast %and3A_586 : vector<16xi32> to vector<1x16xi32>
      tpu.vector_store %arg6[%swap3A_588, %swap3A_589], %swap3A_592 {strides = array<i32>} : memref<2x96xi32, #tpu.memory_space<vmem>>, vector<1x16xi32>,
      %shift_right_logical3A_593 = arith.constant 16 : i32
      %shift_right_logical3A_594 = vector.broadcast %shift_right_logical3A_593 : i32 to vector<16xi32>
      %shift_right_logical3A_595 = arith.shrui %get3A_583, %shift_right_logical3A_594 : vector<16xi32>
      %swap3A_596 = arith.constant 1 : i32
      %swap3A_597 = arith.index_cast %swap3A_596 : i32 to index
      %swap3A_598 = arith.constant 64 : index
      %swap3A_599 = tpu.vector_load %arg7[%swap3A_597, %swap3A_598] {strides = array<i32>} : memref<2x96xi32, #tpu.memory_space<vmem>>, vector<1x16xi32>,
      %swap3A_600 = vector.shape_cast %swap3A_599 : vector<1x16xi32> to vector<16xi32>
      %swap3A_601 = vector.shape_cast %shift_right_logical3A_595 : vector<16xi32> to vector<1x16xi32>
      tpu.vector_store %arg7[%swap3A_597, %swap3A_598], %swap3A_601 {strides = array<i32>} : memref<2x96xi32, #tpu.memory_space<vmem>>, vector<1x16xi32>,
      %add3A_602 = arith.constant 96 : i32
      %add3A_603 = arith.addi %mul3A_330, %add3A_602 : i32
      %add3A_604 = arith.constant 80 : i32
      %add3A_605 = arith.addi %add3A_603, %add3A_604 : i32
      %get3A_606 = arith.index_cast %add3A_605 : i32 to index
      %get3A_607 = tpu.vector_load %arg5[%get3A_606] {strides = array<i32>} : memref<12288xi32, #tpu.memory_space<vmem>>, vector<16xi32>,
      %get3A_608 = vector.shape_cast %get3A_607 : vector<16xi32> to vector<16xi32>
      %and3A_609 = arith.constant 65535 : i32
      %and3A_610 = vector.broadcast %and3A_609 : i32 to vector<16xi32>
      %and3A_611 = arith.andi %get3A_608, %and3A_610 : vector<16xi32>
      %swap3A_612 = arith.constant 1 : i32
      %swap3A_613 = arith.index_cast %swap3A_612 : i32 to index
      %swap3A_614 = arith.constant 80 : index
      %swap3A_615 = tpu.vector_load %arg6[%swap3A_613, %swap3A_614] {strides = array<i32>} : memref<2x96xi32, #tpu.memory_space<vmem>>, vector<1x16xi32>,
      %swap3A_616 = vector.shape_cast %swap3A_615 : vector<1x16xi32> to vector<16xi32>
      %swap3A_617 = vector.shape_cast %and3A_611 : vector<16xi32> to vector<1x16xi32>
      tpu.vector_store %arg6[%swap3A_613, %swap3A_614], %swap3A_617 {strides = array<i32>} : memref<2x96xi32, #tpu.memory_space<vmem>>, vector<1x16xi32>,
      %shift_right_logical3A_618 = arith.constant 16 : i32
      %shift_right_logical3A_619 = vector.broadcast %shift_right_logical3A_618 : i32 to vector<16xi32>
      %shift_right_logical3A_620 = arith.shrui %get3A_608, %shift_right_logical3A_619 : vector<16xi32>
      %swap3A_621 = arith.constant 1 : i32
      %swap3A_622 = arith.index_cast %swap3A_621 : i32 to index
      %swap3A_623 = arith.constant 80 : index
      %swap3A_624 = tpu.vector_load %arg7[%swap3A_622, %swap3A_623] {strides = array<i32>} : memref<2x96xi32, #tpu.memory_space<vmem>>, vector<1x16xi32>,
      %swap3A_625 = vector.shape_cast %swap3A_624 : vector<1x16xi32> to vector<16xi32>
      %swap3A_626 = vector.shape_cast %shift_right_logical3A_620 : vector<16xi32> to vector<1x16xi32>
      tpu.vector_store %arg7[%swap3A_622, %swap3A_623], %swap3A_626 {strides = array<i32>} : memref<2x96xi32, #tpu.memory_space<vmem>>, vector<1x16xi32>,
      %dma_start3A_627 = arith.constant 0 : i32
      %dma_start3A_628 = arith.constant 0 : i32
      %dma_start3A_629 = tpu.memref_slice %arg6[%dma_start3A_627, %dma_start3A_628] : memref<2x96xi32, #tpu.memory_space<vmem>> -> memref<1x96xi32, #tpu.memory_space<vmem>>
      %dma_start3A_630 = tpu.memref_squeeze %dma_start3A_629 : memref<1x96xi32, #tpu.memory_space<vmem>> -> memref<96xi32, #tpu.memory_space<vmem>>
      %dma_start3A_631 = arith.constant 0 : i32
      %dma_start3A_632 = arith.constant 0 : i32
      %dma_start3A_633 = tpu.memref_slice %arg2[%dma_start3A_631, %dma_start3A_632] : memref<40000x128xf32, #tpu.memory_space<hbm>> -> memref<40000x128xf32, #tpu.memory_space<hbm>>
      tpu.enqueue_indirect_dma source(%dma_start3A_633 : memref<40000x128xf32, #tpu.memory_space<hbm>>) target(%arg8 : memref<96x128xf32, #tpu.memory_space<vmem>>) offsets(%dma_start3A_630 : memref<96xi32, #tpu.memory_space<vmem>>) semaphore(%arg11 : memref<!tpu.dma_semaphore, #tpu.memory_space<semaphore_mem>>)
      %dma_start3A_634 = arith.constant 1 : i32
      %dma_start3A_635 = arith.constant 0 : i32
      %dma_start3A_636 = tpu.memref_slice %arg6[%dma_start3A_634, %dma_start3A_635] : memref<2x96xi32, #tpu.memory_space<vmem>> -> memref<1x96xi32, #tpu.memory_space<vmem>>
      %dma_start3A_637 = tpu.memref_squeeze %dma_start3A_636 : memref<1x96xi32, #tpu.memory_space<vmem>> -> memref<96xi32, #tpu.memory_space<vmem>>
      %dma_start3A_638 = arith.constant 0 : i32
      %dma_start3A_639 = arith.constant 0 : i32
      %dma_start3A_640 = tpu.memref_slice %arg2[%dma_start3A_638, %dma_start3A_639] : memref<40000x128xf32, #tpu.memory_space<hbm>> -> memref<40000x128xf32, #tpu.memory_space<hbm>>
      tpu.enqueue_indirect_dma source(%dma_start3A_640 : memref<40000x128xf32, #tpu.memory_space<hbm>>) target(%arg9 : memref<96x128xf32, #tpu.memory_space<vmem>>) offsets(%dma_start3A_637 : memref<96xi32, #tpu.memory_space<vmem>>) semaphore(%arg12 : memref<!tpu.dma_semaphore, #tpu.memory_space<semaphore_mem>>)
      %dma_wait3A_641 = arith.constant 0 : i32
      %dma_wait3A_642 = arith.constant 0 : i32
      %dma_wait3A_643 = tpu.memref_slice %arg6[%dma_wait3A_641, %dma_wait3A_642] : memref<2x96xi32, #tpu.memory_space<vmem>> -> memref<1x96xi32, #tpu.memory_space<vmem>>
      %dma_wait3A_644 = tpu.memref_squeeze %dma_wait3A_643 : memref<1x96xi32, #tpu.memory_space<vmem>> -> memref<96xi32, #tpu.memory_space<vmem>>
      %dma_wait3A_645 = arith.constant 0 : i32
      %dma_wait3A_646 = arith.constant 0 : i32
      %dma_wait3A_647 = tpu.memref_slice %arg2[%dma_wait3A_645, %dma_wait3A_646] : memref<40000x128xf32, #tpu.memory_space<hbm>> -> memref<40000x128xf32, #tpu.memory_space<hbm>>
      tpu.wait_indirect_dma semaphore(%arg11 : memref<!tpu.dma_semaphore, #tpu.memory_space<semaphore_mem>>) src(%dma_wait3A_647 : memref<40000x128xf32, #tpu.memory_space<hbm>>) dst(%arg8 : memref<96x128xf32, #tpu.memory_space<vmem>>)
      %dma_start3A_648 = arith.constant 0 : i32
      %dma_start3A_649 = arith.constant 0 : i32
      %dma_start3A_650 = tpu.memref_slice %arg7[%dma_start3A_648, %dma_start3A_649] : memref<2x96xi32, #tpu.memory_space<vmem>> -> memref<1x96xi32, #tpu.memory_space<vmem>>
      %dma_start3A_651 = tpu.memref_squeeze %dma_start3A_650 : memref<1x96xi32, #tpu.memory_space<vmem>> -> memref<96xi32, #tpu.memory_space<vmem>>
      %dma_start3A_652 = arith.constant 0 : i32
      %dma_start3A_653 = arith.constant 0 : i32
      %dma_start3A_654 = tpu.memref_slice %arg10[%dma_start3A_652, %dma_start3A_653] : memref<10112x128xf32, #tpu.memory_space<vmem_shared>> -> memref<10112x128xf32, #tpu.memory_space<vmem_shared>>
      tpu.enqueue_indirect_dma source(%arg8 : memref<96x128xf32, #tpu.memory_space<vmem>>) target(%dma_start3A_654 : memref<10112x128xf32, #tpu.memory_space<vmem_shared>>) offsets(%dma_start3A_651 : memref<96xi32, #tpu.memory_space<vmem>>) semaphore(%arg13 : memref<!tpu.dma_semaphore, #tpu.memory_space<semaphore_mem>>) {add = true}
      %dma_wait3A_655 = arith.constant 1 : i32
      %dma_wait3A_656 = arith.constant 0 : i32
      %dma_wait3A_657 = tpu.memref_slice %arg6[%dma_wait3A_655, %dma_wait3A_656] : memref<2x96xi32, #tpu.memory_space<vmem>> -> memref<1x96xi32, #tpu.memory_space<vmem>>
      %dma_wait3A_658 = tpu.memref_squeeze %dma_wait3A_657 : memref<1x96xi32, #tpu.memory_space<vmem>> -> memref<96xi32, #tpu.memory_space<vmem>>
      %dma_wait3A_659 = arith.constant 0 : i32
      %dma_wait3A_660 = arith.constant 0 : i32
      %dma_wait3A_661 = tpu.memref_slice %arg2[%dma_wait3A_659, %dma_wait3A_660] : memref<40000x128xf32, #tpu.memory_space<hbm>> -> memref<40000x128xf32, #tpu.memory_space<hbm>>
      tpu.wait_indirect_dma semaphore(%arg12 : memref<!tpu.dma_semaphore, #tpu.memory_space<semaphore_mem>>) src(%dma_wait3A_661 : memref<40000x128xf32, #tpu.memory_space<hbm>>) dst(%arg9 : memref<96x128xf32, #tpu.memory_space<vmem>>)
      %run_scoped3A = arith.constant 1 : i32
      "tpu.region"() ({
        %run_scoped3A_669 = tpu.sem_alloc : memref<!tpu.dma_semaphore, #tpu.memory_space<semaphore_mem>>
        %dma_start3A_670 = arith.constant 0 : i32
        %dma_start3A_671 = tpu.memref_slice %arg7[%run_scoped3A, %dma_start3A_670] : memref<2x96xi32, #tpu.memory_space<vmem>> -> memref<1x96xi32, #tpu.memory_space<vmem>>
        %dma_start3A_672 = tpu.memref_squeeze %dma_start3A_671 : memref<1x96xi32, #tpu.memory_space<vmem>> -> memref<96xi32, #tpu.memory_space<vmem>>
        %dma_start3A_673 = arith.constant 0 : i32
        %dma_start3A_674 = arith.constant 0 : i32
        %dma_start3A_675 = tpu.memref_slice %arg10[%dma_start3A_673, %dma_start3A_674] : memref<10112x128xf32, #tpu.memory_space<vmem_shared>> -> memref<10112x128xf32, #tpu.memory_space<vmem_shared>>
        tpu.enqueue_indirect_dma source(%arg9 : memref<96x128xf32, #tpu.memory_space<vmem>>) target(%dma_start3A_675 : memref<10112x128xf32, #tpu.memory_space<vmem_shared>>) offsets(%dma_start3A_672 : memref<96xi32, #tpu.memory_space<vmem>>) semaphore(%run_scoped3A_669 : memref<!tpu.dma_semaphore, #tpu.memory_space<semaphore_mem>>) {add = true}
        %dma_wait3A_676 = arith.constant 0 : i32
        %dma_wait3A_677 = tpu.memref_slice %arg7[%run_scoped3A, %dma_wait3A_676] : memref<2x96xi32, #tpu.memory_space<vmem>> -> memref<1x96xi32, #tpu.memory_space<vmem>>
        %dma_wait3A_678 = tpu.memref_squeeze %dma_wait3A_677 : memref<1x96xi32, #tpu.memory_space<vmem>> -> memref<96xi32, #tpu.memory_space<vmem>>
        %dma_wait3A_679 = arith.constant 0 : i32
        %dma_wait3A_680 = arith.constant 0 : i32
        %dma_wait3A_681 = tpu.memref_slice %arg10[%dma_wait3A_679, %dma_wait3A_680] : memref<10112x128xf32, #tpu.memory_space<vmem_shared>> -> memref<10112x128xf32, #tpu.memory_space<vmem_shared>>
        tpu.wait_indirect_dma semaphore(%run_scoped3A_669 : memref<!tpu.dma_semaphore, #tpu.memory_space<semaphore_mem>>) src(%arg9 : memref<96x128xf32, #tpu.memory_space<vmem>>) dst(%dma_wait3A_681 : memref<10112x128xf32, #tpu.memory_space<vmem_shared>>)
        tpu.yield
      }) : () -> ()
      %dma_wait3A_662 = arith.constant 0 : i32
      %dma_wait3A_663 = arith.constant 0 : i32
      %dma_wait3A_664 = tpu.memref_slice %arg7[%dma_wait3A_662, %dma_wait3A_663] : memref<2x96xi32, #tpu.memory_space<vmem>> -> memref<1x96xi32, #tpu.memory_space<vmem>>
      %dma_wait3A_665 = tpu.memref_squeeze %dma_wait3A_664 : memref<1x96xi32, #tpu.memory_space<vmem>> -> memref<96xi32, #tpu.memory_space<vmem>>
      %dma_wait3A_666 = arith.constant 0 : i32
      %dma_wait3A_667 = arith.constant 0 : i32
      %dma_wait3A_668 = tpu.memref_slice %arg10[%dma_wait3A_666, %dma_wait3A_667] : memref<10112x128xf32, #tpu.memory_space<vmem_shared>> -> memref<10112x128xf32, #tpu.memory_space<vmem_shared>>
      tpu.wait_indirect_dma semaphore(%arg13 : memref<!tpu.dma_semaphore, #tpu.memory_space<semaphore_mem>>) src(%arg8 : memref<96x128xf32, #tpu.memory_space<vmem>>) dst(%dma_wait3A_668 : memref<10112x128xf32, #tpu.memory_space<vmem_shared>>)
    }
    %while3A_128 = arith.constant 1 : i32
    scf.for %while3A_326 = %while3A_126 to %while3A_122 step %while3A_128  : i32 {
      %mul3A_327 = arith.constant 2 : i32
      %mul3A_328 = arith.muli %mul3A_327, %while3A_326 : i32
      %mul3A_329 = arith.constant 96 : i32
      %mul3A_330 = arith.muli %mul3A_328, %mul3A_329 : i32
      %add3A_331 = arith.constant 0 : i32
      %add3A_332 = arith.addi %mul3A_330, %add3A_331 : i32
      %add3A_333 = arith.constant 0 : i32
      %add3A_334 = arith.addi %add3A_332, %add3A_333 : i32
      %get3A = arith.index_cast %add3A_334 : i32 to index
      %get3A_335 = tpu.vector_load %arg5[%get3A] {strides = array<i32>} : memref<12288xi32, #tpu.memory_space<vmem>>, vector<16xi32>,
      %get3A_336 = vector.shape_cast %get3A_335 : vector<16xi32> to vector<16xi32>
      %and3A = arith.constant 65535 : i32
      %and3A_337 = vector.broadcast %and3A : i32 to vector<16xi32>
      %and3A_338 = arith.andi %get3A_336, %and3A_337 : vector<16xi32>
      %swap3A = arith.constant 0 : i32
      %swap3A_339 = arith.index_cast %swap3A : i32 to index
      %swap3A_340 = arith.constant 0 : index
      %swap3A_341 = tpu.vector_load %arg6[%swap3A_339, %swap3A_340] {strides = array<i32>} : memref<2x96xi32, #tpu.memory_space<vmem>>, vector<1x16xi32>,
      %swap3A_342 = vector.shape_cast %swap3A_341 : vector<1x16xi32> to vector<16xi32>
      %swap3A_343 = vector.shape_cast %and3A_338 : vector<16xi32> to vector<1x16xi32>
      tpu.vector_store %arg6[%swap3A_339, %swap3A_340], %swap3A_343 {strides = array<i32>} : memref<2x96xi32, #tpu.memory_space<vmem>>, vector<1x16xi32>,
      %shift_right_logical3A = arith.constant 16 : i32
      %shift_right_logical3A_344 = vector.broadcast %shift_right_logical3A : i32 to vector<16xi32>
      %shift_right_logical3A_345 = arith.shrui %get3A_336, %shift_right_logical3A_344 : vector<16xi32>
      %swap3A_346 = arith.constant 0 : i32
      %swap3A_347 = arith.index_cast %swap3A_346 : i32 to index
      %swap3A_348 = arith.constant 0 : index
      %swap3A_349 = tpu.vector_load %arg7[%swap3A_347, %swap3A_348] {strides = array<i32>} : memref<2x96xi32, #tpu.memory_space<vmem>>, vector<1x16xi32>,
      %swap3A_350 = vector.shape_cast %swap3A_349 : vector<1x16xi32> to vector<16xi32>
      %swap3A_351 = vector.shape_cast %shift_right_logical3A_345 : vector<16xi32> to vector<1x16xi32>
      tpu.vector_store %arg7[%swap3A_347, %swap3A_348], %swap3A_351 {strides = array<i32>} : memref<2x96xi32, #tpu.memory_space<vmem>>, vector<1x16xi32>,
      %add3A_352 = arith.constant 0 : i32
      %add3A_353 = arith.addi %mul3A_330, %add3A_352 : i32
      %add3A_354 = arith.constant 16 : i32
      %add3A_355 = arith.addi %add3A_353, %add3A_354 : i32
      %get3A_356 = arith.index_cast %add3A_355 : i32 to index
      %get3A_357 = tpu.vector_load %arg5[%get3A_356] {strides = array<i32>} : memref<12288xi32, #tpu.memory_space<vmem>>, vector<16xi32>,
      %get3A_358 = vector.shape_cast %get3A_357 : vector<16xi32> to vector<16xi32>
      %and3A_359 = arith.constant 65535 : i32
      %and3A_360 = vector.broadcast %and3A_359 : i32 to vector<16xi32>
      %and3A_361 = arith.andi %get3A_358, %and3A_360 : vector<16xi32>
      %swap3A_362 = arith.constant 0 : i32
      %swap3A_363 = arith.index_cast %swap3A_362 : i32 to index
      %swap3A_364 = arith.constant 16 : index
      %swap3A_365 = tpu.vector_load %arg6[%swap3A_363, %swap3A_364] {strides = array<i32>} : memref<2x96xi32, #tpu.memory_space<vmem>>, vector<1x16xi32>,
      %swap3A_366 = vector.shape_cast %swap3A_365 : vector<1x16xi32> to vector<16xi32>
      %swap3A_367 = vector.shape_cast %and3A_361 : vector<16xi32> to vector<1x16xi32>
      tpu.vector_store %arg6[%swap3A_363, %swap3A_364], %swap3A_367 {strides = array<i32>} : memref<2x96xi32, #tpu.memory_space<vmem>>, vector<1x16xi32>,
      %shift_right_logical3A_368 = arith.constant 16 : i32
      %shift_right_logical3A_369 = vector.broadcast %shift_right_logical3A_368 : i32 to vector<16xi32>
      %shift_right_logical3A_370 = arith.shrui %get3A_358, %shift_right_logical3A_369 : vector<16xi32>
      %swap3A_371 = arith.constant 0 : i32
      %swap3A_372 = arith.index_cast %swap3A_371 : i32 to index
      %swap3A_373 = arith.constant 16 : index
      %swap3A_374 = tpu.vector_load %arg7[%swap3A_372, %swap3A_373] {strides = array<i32>} : memref<2x96xi32, #tpu.memory_space<vmem>>, vector<1x16xi32>,
      %swap3A_375 = vector.shape_cast %swap3A_374 : vector<1x16xi32> to vector<16xi32>
      %swap3A_376 = vector.shape_cast %shift_right_logical3A_370 : vector<16xi32> to vector<1x16xi32>
      tpu.vector_store %arg7[%swap3A_372, %swap3A_373], %swap3A_376 {strides = array<i32>} : memref<2x96xi32, #tpu.memory_space<vmem>>, vector<1x16xi32>,
      %add3A_377 = arith.constant 0 : i32
      %add3A_378 = arith.addi %mul3A_330, %add3A_377 : i32
      %add3A_379 = arith.constant 32 : i32
      %add3A_380 = arith.addi %add3A_378, %add3A_379 : i32
      %get3A_381 = arith.index_cast %add3A_380 : i32 to index
      %get3A_382 = tpu.vector_load %arg5[%get3A_381] {strides = array<i32>} : memref<12288xi32, #tpu.memory_space<vmem>>, vector<16xi32>,
      %get3A_383 = vector.shape_cast %get3A_382 : vector<16xi32> to vector<16xi32>
      %and3A_384 = arith.constant 65535 : i32
      %and3A_385 = vector.broadcast %and3A_384 : i32 to vector<16xi32>
      %and3A_386 = arith.andi %get3A_383, %and3A_385 : vector<16xi32>
      %swap3A_387 = arith.constant 0 : i32
      %swap3A_388 = arith.index_cast %swap3A_387 : i32 to index
      %swap3A_389 = arith.constant 32 : index
      %swap3A_390 = tpu.vector_load %arg6[%swap3A_388, %swap3A_389] {strides = array<i32>} : memref<2x96xi32, #tpu.memory_space<vmem>>, vector<1x16xi32>,
      %swap3A_391 = vector.shape_cast %swap3A_390 : vector<1x16xi32> to vector<16xi32>
      %swap3A_392 = vector.shape_cast %and3A_386 : vector<16xi32> to vector<1x16xi32>
      tpu.vector_store %arg6[%swap3A_388, %swap3A_389], %swap3A_392 {strides = array<i32>} : memref<2x96xi32, #tpu.memory_space<vmem>>, vector<1x16xi32>,
      %shift_right_logical3A_393 = arith.constant 16 : i32
      %shift_right_logical3A_394 = vector.broadcast %shift_right_logical3A_393 : i32 to vector<16xi32>
      %shift_right_logical3A_395 = arith.shrui %get3A_383, %shift_right_logical3A_394 : vector<16xi32>
      %swap3A_396 = arith.constant 0 : i32
      %swap3A_397 = arith.index_cast %swap3A_396 : i32 to index
      %swap3A_398 = arith.constant 32 : index
      %swap3A_399 = tpu.vector_load %arg7[%swap3A_397, %swap3A_398] {strides = array<i32>} : memref<2x96xi32, #tpu.memory_space<vmem>>, vector<1x16xi32>,
      %swap3A_400 = vector.shape_cast %swap3A_399 : vector<1x16xi32> to vector<16xi32>
      %swap3A_401 = vector.shape_cast %shift_right_logical3A_395 : vector<16xi32> to vector<1x16xi32>
      tpu.vector_store %arg7[%swap3A_397, %swap3A_398], %swap3A_401 {strides = array<i32>} : memref<2x96xi32, #tpu.memory_space<vmem>>, vector<1x16xi32>,
      %add3A_402 = arith.constant 0 : i32
      %add3A_403 = arith.addi %mul3A_330, %add3A_402 : i32
      %add3A_404 = arith.constant 48 : i32
      %add3A_405 = arith.addi %add3A_403, %add3A_404 : i32
      %get3A_406 = arith.index_cast %add3A_405 : i32 to index
      %get3A_407 = tpu.vector_load %arg5[%get3A_406] {strides = array<i32>} : memref<12288xi32, #tpu.memory_space<vmem>>, vector<16xi32>,
      %get3A_408 = vector.shape_cast %get3A_407 : vector<16xi32> to vector<16xi32>
      %and3A_409 = arith.constant 65535 : i32
      %and3A_410 = vector.broadcast %and3A_409 : i32 to vector<16xi32>
      %and3A_411 = arith.andi %get3A_408, %and3A_410 : vector<16xi32>
      %swap3A_412 = arith.constant 0 : i32
      %swap3A_413 = arith.index_cast %swap3A_412 : i32 to index
      %swap3A_414 = arith.constant 48 : index
      %swap3A_415 = tpu.vector_load %arg6[%swap3A_413, %swap3A_414] {strides = array<i32>} : memref<2x96xi32, #tpu.memory_space<vmem>>, vector<1x16xi32>,
      %swap3A_416 = vector.shape_cast %swap3A_415 : vector<1x16xi32> to vector<16xi32>
      %swap3A_417 = vector.shape_cast %and3A_411 : vector<16xi32> to vector<1x16xi32>
      tpu.vector_store %arg6[%swap3A_413, %swap3A_414], %swap3A_417 {strides = array<i32>} : memref<2x96xi32, #tpu.memory_space<vmem>>, vector<1x16xi32>,
      %shift_right_logical3A_418 = arith.constant 16 : i32
      %shift_right_logical3A_419 = vector.broadcast %shift_right_logical3A_418 : i32 to vector<16xi32>
      %shift_right_logical3A_420 = arith.shrui %get3A_408, %shift_right_logical3A_419 : vector<16xi32>
      %swap3A_421 = arith.constant 0 : i32
      %swap3A_422 = arith.index_cast %swap3A_421 : i32 to index
      %swap3A_423 = arith.constant 48 : index
      %swap3A_424 = tpu.vector_load %arg7[%swap3A_422, %swap3A_423] {strides = array<i32>} : memref<2x96xi32, #tpu.memory_space<vmem>>, vector<1x16xi32>,
      %swap3A_425 = vector.shape_cast %swap3A_424 : vector<1x16xi32> to vector<16xi32>
      %swap3A_426 = vector.shape_cast %shift_right_logical3A_420 : vector<16xi32> to vector<1x16xi32>
      tpu.vector_store %arg7[%swap3A_422, %swap3A_423], %swap3A_426 {strides = array<i32>} : memref<2x96xi32, #tpu.memory_space<vmem>>, vector<1x16xi32>,
      %add3A_427 = arith.constant 0 : i32
      %add3A_428 = arith.addi %mul3A_330, %add3A_427 : i32
      %add3A_429 = arith.constant 64 : i32
      %add3A_430 = arith.addi %add3A_428, %add3A_429 : i32
      %get3A_431 = arith.index_cast %add3A_430 : i32 to index
      %get3A_432 = tpu.vector_load %arg5[%get3A_431] {strides = array<i32>} : memref<12288xi32, #tpu.memory_space<vmem>>, vector<16xi32>,
      %get3A_433 = vector.shape_cast %get3A_432 : vector<16xi32> to vector<16xi32>
      %and3A_434 = arith.constant 65535 : i32
      %and3A_435 = vector.broadcast %and3A_434 : i32 to vector<16xi32>
      %and3A_436 = arith.andi %get3A_433, %and3A_435 : vector<16xi32>
      %swap3A_437 = arith.constant 0 : i32
      %swap3A_438 = arith.index_cast %swap3A_437 : i32 to index
      %swap3A_439 = arith.constant 64 : index
      %swap3A_440 = tpu.vector_load %arg6[%swap3A_438, %swap3A_439] {strides = array<i32>} : memref<2x96xi32, #tpu.memory_space<vmem>>, vector<1x16xi32>,
      %swap3A_441 = vector.shape_cast %swap3A_440 : vector<1x16xi32> to vector<16xi32>
      %swap3A_442 = vector.shape_cast %and3A_436 : vector<16xi32> to vector<1x16xi32>
      tpu.vector_store %arg6[%swap3A_438, %swap3A_439], %swap3A_442 {strides = array<i32>} : memref<2x96xi32, #tpu.memory_space<vmem>>, vector<1x16xi32>,
      %shift_right_logical3A_443 = arith.constant 16 : i32
      %shift_right_logical3A_444 = vector.broadcast %shift_right_logical3A_443 : i32 to vector<16xi32>
      %shift_right_logical3A_445 = arith.shrui %get3A_433, %shift_right_logical3A_444 : vector<16xi32>
      %swap3A_446 = arith.constant 0 : i32
      %swap3A_447 = arith.index_cast %swap3A_446 : i32 to index
      %swap3A_448 = arith.constant 64 : index
      %swap3A_449 = tpu.vector_load %arg7[%swap3A_447, %swap3A_448] {strides = array<i32>} : memref<2x96xi32, #tpu.memory_space<vmem>>, vector<1x16xi32>,
      %swap3A_450 = vector.shape_cast %swap3A_449 : vector<1x16xi32> to vector<16xi32>
      %swap3A_451 = vector.shape_cast %shift_right_logical3A_445 : vector<16xi32> to vector<1x16xi32>
      tpu.vector_store %arg7[%swap3A_447, %swap3A_448], %swap3A_451 {strides = array<i32>} : memref<2x96xi32, #tpu.memory_space<vmem>>, vector<1x16xi32>,
      %add3A_452 = arith.constant 0 : i32
      %add3A_453 = arith.addi %mul3A_330, %add3A_452 : i32
      %add3A_454 = arith.constant 80 : i32
      %add3A_455 = arith.addi %add3A_453, %add3A_454 : i32
      %get3A_456 = arith.index_cast %add3A_455 : i32 to index
      %get3A_457 = tpu.vector_load %arg5[%get3A_456] {strides = array<i32>} : memref<12288xi32, #tpu.memory_space<vmem>>, vector<16xi32>,
      %get3A_458 = vector.shape_cast %get3A_457 : vector<16xi32> to vector<16xi32>
      %and3A_459 = arith.constant 65535 : i32
      %and3A_460 = vector.broadcast %and3A_459 : i32 to vector<16xi32>
      %and3A_461 = arith.andi %get3A_458, %and3A_460 : vector<16xi32>
      %swap3A_462 = arith.constant 0 : i32
      %swap3A_463 = arith.index_cast %swap3A_462 : i32 to index
      %swap3A_464 = arith.constant 80 : index
      %swap3A_465 = tpu.vector_load %arg6[%swap3A_463, %swap3A_464] {strides = array<i32>} : memref<2x96xi32, #tpu.memory_space<vmem>>, vector<1x16xi32>,
      %swap3A_466 = vector.shape_cast %swap3A_465 : vector<1x16xi32> to vector<16xi32>
      %swap3A_467 = vector.shape_cast %and3A_461 : vector<16xi32> to vector<1x16xi32>
      tpu.vector_store %arg6[%swap3A_463, %swap3A_464], %swap3A_467 {strides = array<i32>} : memref<2x96xi32, #tpu.memory_space<vmem>>, vector<1x16xi32>,
      %shift_right_logical3A_468 = arith.constant 16 : i32
      %shift_right_logical3A_469 = vector.broadcast %shift_right_logical3A_468 : i32 to vector<16xi32>
      %shift_right_logical3A_470 = arith.shrui %get3A_458, %shift_right_logical3A_469 : vector<16xi32>
      %swap3A_471 = arith.constant 0 : i32
      %swap3A_472 = arith.index_cast %swap3A_471 : i32 to index
      %swap3A_473 = arith.constant 80 : index
      %swap3A_474 = tpu.vector_load %arg7[%swap3A_472, %swap3A_473] {strides = array<i32>} : memref<2x96xi32, #tpu.memory_space<vmem>>, vector<1x16xi32>,
      %swap3A_475 = vector.shape_cast %swap3A_474 : vector<1x16xi32> to vector<16xi32>
      %swap3A_476 = vector.shape_cast %shift_right_logical3A_470 : vector<16xi32> to vector<1x16xi32>
      tpu.vector_store %arg7[%swap3A_472, %swap3A_473], %swap3A_476 {strides = array<i32>} : memref<2x96xi32, #tpu.memory_space<vmem>>, vector<1x16xi32>,
      %add3A_477 = arith.constant 96 : i32
      %add3A_478 = arith.addi %mul3A_330, %add3A_477 : i32
      %add3A_479 = arith.constant 0 : i32
      %add3A_480 = arith.addi %add3A_478, %add3A_479 : i32
      %get3A_481 = arith.index_cast %add3A_480 : i32 to index
      %get3A_482 = tpu.vector_load %arg5[%get3A_481] {strides = array<i32>} : memref<12288xi32, #tpu.memory_space<vmem>>, vector<16xi32>,
      %get3A_483 = vector.shape_cast %get3A_482 : vector<16xi32> to vector<16xi32>
      %and3A_484 = arith.constant 65535 : i32
      %and3A_485 = vector.broadcast %and3A_484 : i32 to vector<16xi32>
      %and3A_486 = arith.andi %get3A_483, %and3A_485 : vector<16xi32>
      %swap3A_487 = arith.constant 1 : i32
      %swap3A_488 = arith.index_cast %swap3A_487 : i32 to index
      %swap3A_489 = arith.constant 0 : index
      %swap3A_490 = tpu.vector_load %arg6[%swap3A_488, %swap3A_489] {strides = array<i32>} : memref<2x96xi32, #tpu.memory_space<vmem>>, vector<1x16xi32>,
      %swap3A_491 = vector.shape_cast %swap3A_490 : vector<1x16xi32> to vector<16xi32>
      %swap3A_492 = vector.shape_cast %and3A_486 : vector<16xi32> to vector<1x16xi32>
      tpu.vector_store %arg6[%swap3A_488, %swap3A_489], %swap3A_492 {strides = array<i32>} : memref<2x96xi32, #tpu.memory_space<vmem>>, vector<1x16xi32>,
      %shift_right_logical3A_493 = arith.constant 16 : i32
      %shift_right_logical3A_494 = vector.broadcast %shift_right_logical3A_493 : i32 to vector<16xi32>
      %shift_right_logical3A_495 = arith.shrui %get3A_483, %shift_right_logical3A_494 : vector<16xi32>
      %swap3A_496 = arith.constant 1 : i32
      %swap3A_497 = arith.index_cast %swap3A_496 : i32 to index
      %swap3A_498 = arith.constant 0 : index
      %swap3A_499 = tpu.vector_load %arg7[%swap3A_497, %swap3A_498] {strides = array<i32>} : memref<2x96xi32, #tpu.memory_space<vmem>>, vector<1x16xi32>,
      %swap3A_500 = vector.shape_cast %swap3A_499 : vector<1x16xi32> to vector<16xi32>
      %swap3A_501 = vector.shape_cast %shift_right_logical3A_495 : vector<16xi32> to vector<1x16xi32>
      tpu.vector_store %arg7[%swap3A_497, %swap3A_498], %swap3A_501 {strides = array<i32>} : memref<2x96xi32, #tpu.memory_space<vmem>>, vector<1x16xi32>,
      %add3A_502 = arith.constant 96 : i32
      %add3A_503 = arith.addi %mul3A_330, %add3A_502 : i32
      %add3A_504 = arith.constant 16 : i32
      %add3A_505 = arith.addi %add3A_503, %add3A_504 : i32
      %get3A_506 = arith.index_cast %add3A_505 : i32 to index
      %get3A_507 = tpu.vector_load %arg5[%get3A_506] {strides = array<i32>} : memref<12288xi32, #tpu.memory_space<vmem>>, vector<16xi32>,
      %get3A_508 = vector.shape_cast %get3A_507 : vector<16xi32> to vector<16xi32>
      %and3A_509 = arith.constant 65535 : i32
      %and3A_510 = vector.broadcast %and3A_509 : i32 to vector<16xi32>
      %and3A_511 = arith.andi %get3A_508, %and3A_510 : vector<16xi32>
      %swap3A_512 = arith.constant 1 : i32
      %swap3A_513 = arith.index_cast %swap3A_512 : i32 to index
      %swap3A_514 = arith.constant 16 : index
      %swap3A_515 = tpu.vector_load %arg6[%swap3A_513, %swap3A_514] {strides = array<i32>} : memref<2x96xi32, #tpu.memory_space<vmem>>, vector<1x16xi32>,
      %swap3A_516 = vector.shape_cast %swap3A_515 : vector<1x16xi32> to vector<16xi32>
      %swap3A_517 = vector.shape_cast %and3A_511 : vector<16xi32> to vector<1x16xi32>
      tpu.vector_store %arg6[%swap3A_513, %swap3A_514], %swap3A_517 {strides = array<i32>} : memref<2x96xi32, #tpu.memory_space<vmem>>, vector<1x16xi32>,
      %shift_right_logical3A_518 = arith.constant 16 : i32
      %shift_right_logical3A_519 = vector.broadcast %shift_right_logical3A_518 : i32 to vector<16xi32>
      %shift_right_logical3A_520 = arith.shrui %get3A_508, %shift_right_logical3A_519 : vector<16xi32>
      %swap3A_521 = arith.constant 1 : i32
      %swap3A_522 = arith.index_cast %swap3A_521 : i32 to index
      %swap3A_523 = arith.constant 16 : index
      %swap3A_524 = tpu.vector_load %arg7[%swap3A_522, %swap3A_523] {strides = array<i32>} : memref<2x96xi32, #tpu.memory_space<vmem>>, vector<1x16xi32>,
      %swap3A_525 = vector.shape_cast %swap3A_524 : vector<1x16xi32> to vector<16xi32>
      %swap3A_526 = vector.shape_cast %shift_right_logical3A_520 : vector<16xi32> to vector<1x16xi32>
      tpu.vector_store %arg7[%swap3A_522, %swap3A_523], %swap3A_526 {strides = array<i32>} : memref<2x96xi32, #tpu.memory_space<vmem>>, vector<1x16xi32>,
      %add3A_527 = arith.constant 96 : i32
      %add3A_528 = arith.addi %mul3A_330, %add3A_527 : i32
      %add3A_529 = arith.constant 32 : i32
      %add3A_530 = arith.addi %add3A_528, %add3A_529 : i32
      %get3A_531 = arith.index_cast %add3A_530 : i32 to index
      %get3A_532 = tpu.vector_load %arg5[%get3A_531] {strides = array<i32>} : memref<12288xi32, #tpu.memory_space<vmem>>, vector<16xi32>,
      %get3A_533 = vector.shape_cast %get3A_532 : vector<16xi32> to vector<16xi32>
      %and3A_534 = arith.constant 65535 : i32
      %and3A_535 = vector.broadcast %and3A_534 : i32 to vector<16xi32>
      %and3A_536 = arith.andi %get3A_533, %and3A_535 : vector<16xi32>
      %swap3A_537 = arith.constant 1 : i32
      %swap3A_538 = arith.index_cast %swap3A_537 : i32 to index
      %swap3A_539 = arith.constant 32 : index
      %swap3A_540 = tpu.vector_load %arg6[%swap3A_538, %swap3A_539] {strides = array<i32>} : memref<2x96xi32, #tpu.memory_space<vmem>>, vector<1x16xi32>,
      %swap3A_541 = vector.shape_cast %swap3A_540 : vector<1x16xi32> to vector<16xi32>
      %swap3A_542 = vector.shape_cast %and3A_536 : vector<16xi32> to vector<1x16xi32>
      tpu.vector_store %arg6[%swap3A_538, %swap3A_539], %swap3A_542 {strides = array<i32>} : memref<2x96xi32, #tpu.memory_space<vmem>>, vector<1x16xi32>,
      %shift_right_logical3A_543 = arith.constant 16 : i32
      %shift_right_logical3A_544 = vector.broadcast %shift_right_logical3A_543 : i32 to vector<16xi32>
      %shift_right_logical3A_545 = arith.shrui %get3A_533, %shift_right_logical3A_544 : vector<16xi32>
      %swap3A_546 = arith.constant 1 : i32
      %swap3A_547 = arith.index_cast %swap3A_546 : i32 to index
      %swap3A_548 = arith.constant 32 : index
      %swap3A_549 = tpu.vector_load %arg7[%swap3A_547, %swap3A_548] {strides = array<i32>} : memref<2x96xi32, #tpu.memory_space<vmem>>, vector<1x16xi32>,
      %swap3A_550 = vector.shape_cast %swap3A_549 : vector<1x16xi32> to vector<16xi32>
      %swap3A_551 = vector.shape_cast %shift_right_logical3A_545 : vector<16xi32> to vector<1x16xi32>
      tpu.vector_store %arg7[%swap3A_547, %swap3A_548], %swap3A_551 {strides = array<i32>} : memref<2x96xi32, #tpu.memory_space<vmem>>, vector<1x16xi32>,
      %add3A_552 = arith.constant 96 : i32
      %add3A_553 = arith.addi %mul3A_330, %add3A_552 : i32
      %add3A_554 = arith.constant 48 : i32
      %add3A_555 = arith.addi %add3A_553, %add3A_554 : i32
      %get3A_556 = arith.index_cast %add3A_555 : i32 to index
      %get3A_557 = tpu.vector_load %arg5[%get3A_556] {strides = array<i32>} : memref<12288xi32, #tpu.memory_space<vmem>>, vector<16xi32>,
      %get3A_558 = vector.shape_cast %get3A_557 : vector<16xi32> to vector<16xi32>
      %and3A_559 = arith.constant 65535 : i32
      %and3A_560 = vector.broadcast %and3A_559 : i32 to vector<16xi32>
      %and3A_561 = arith.andi %get3A_558, %and3A_560 : vector<16xi32>
      %swap3A_562 = arith.constant 1 : i32
      %swap3A_563 = arith.index_cast %swap3A_562 : i32 to index
      %swap3A_564 = arith.constant 48 : index
      %swap3A_565 = tpu.vector_load %arg6[%swap3A_563, %swap3A_564] {strides = array<i32>} : memref<2x96xi32, #tpu.memory_space<vmem>>, vector<1x16xi32>,
      %swap3A_566 = vector.shape_cast %swap3A_565 : vector<1x16xi32> to vector<16xi32>
      %swap3A_567 = vector.shape_cast %and3A_561 : vector<16xi32> to vector<1x16xi32>
      tpu.vector_store %arg6[%swap3A_563, %swap3A_564], %swap3A_567 {strides = array<i32>} : memref<2x96xi32, #tpu.memory_space<vmem>>, vector<1x16xi32>,
      %shift_right_logical3A_568 = arith.constant 16 : i32
      %shift_right_logical3A_569 = vector.broadcast %shift_right_logical3A_568 : i32 to vector<16xi32>
      %shift_right_logical3A_570 = arith.shrui %get3A_558, %shift_right_logical3A_569 : vector<16xi32>
      %swap3A_571 = arith.constant 1 : i32
      %swap3A_572 = arith.index_cast %swap3A_571 : i32 to index
      %swap3A_573 = arith.constant 48 : index
      %swap3A_574 = tpu.vector_load %arg7[%swap3A_572, %swap3A_573] {strides = array<i32>} : memref<2x96xi32, #tpu.memory_space<vmem>>, vector<1x16xi32>,
      %swap3A_575 = vector.shape_cast %swap3A_574 : vector<1x16xi32> to vector<16xi32>
      %swap3A_576 = vector.shape_cast %shift_right_logical3A_570 : vector<16xi32> to vector<1x16xi32>
      tpu.vector_store %arg7[%swap3A_572, %swap3A_573], %swap3A_576 {strides = array<i32>} : memref<2x96xi32, #tpu.memory_space<vmem>>, vector<1x16xi32>,
      %add3A_577 = arith.constant 96 : i32
      %add3A_578 = arith.addi %mul3A_330, %add3A_577 : i32
      %add3A_579 = arith.constant 64 : i32
      %add3A_580 = arith.addi %add3A_578, %add3A_579 : i32
      %get3A_581 = arith.index_cast %add3A_580 : i32 to index
      %get3A_582 = tpu.vector_load %arg5[%get3A_581] {strides = array<i32>} : memref<12288xi32, #tpu.memory_space<vmem>>, vector<16xi32>,
      %get3A_583 = vector.shape_cast %get3A_582 : vector<16xi32> to vector<16xi32>
      %and3A_584 = arith.constant 65535 : i32
      %and3A_585 = vector.broadcast %and3A_584 : i32 to vector<16xi32>
      %and3A_586 = arith.andi %get3A_583, %and3A_585 : vector<16xi32>
      %swap3A_587 = arith.constant 1 : i32
      %swap3A_588 = arith.index_cast %swap3A_587 : i32 to index
      %swap3A_589 = arith.constant 64 : index
      %swap3A_590 = tpu.vector_load %arg6[%swap3A_588, %swap3A_589] {strides = array<i32>} : memref<2x96xi32, #tpu.memory_space<vmem>>, vector<1x16xi32>,
      %swap3A_591 = vector.shape_cast %swap3A_590 : vector<1x16xi32> to vector<16xi32>
      %swap3A_592 = vector.shape_cast %and3A_586 : vector<16xi32> to vector<1x16xi32>
      tpu.vector_store %arg6[%swap3A_588, %swap3A_589], %swap3A_592 {strides = array<i32>} : memref<2x96xi32, #tpu.memory_space<vmem>>, vector<1x16xi32>,
      %shift_right_logical3A_593 = arith.constant 16 : i32
      %shift_right_logical3A_594 = vector.broadcast %shift_right_logical3A_593 : i32 to vector<16xi32>
      %shift_right_logical3A_595 = arith.shrui %get3A_583, %shift_right_logical3A_594 : vector<16xi32>
      %swap3A_596 = arith.constant 1 : i32
      %swap3A_597 = arith.index_cast %swap3A_596 : i32 to index
      %swap3A_598 = arith.constant 64 : index
      %swap3A_599 = tpu.vector_load %arg7[%swap3A_597, %swap3A_598] {strides = array<i32>} : memref<2x96xi32, #tpu.memory_space<vmem>>, vector<1x16xi32>,
      %swap3A_600 = vector.shape_cast %swap3A_599 : vector<1x16xi32> to vector<16xi32>
      %swap3A_601 = vector.shape_cast %shift_right_logical3A_595 : vector<16xi32> to vector<1x16xi32>
      tpu.vector_store %arg7[%swap3A_597, %swap3A_598], %swap3A_601 {strides = array<i32>} : memref<2x96xi32, #tpu.memory_space<vmem>>, vector<1x16xi32>,
      %add3A_602 = arith.constant 96 : i32
      %add3A_603 = arith.addi %mul3A_330, %add3A_602 : i32
      %add3A_604 = arith.constant 80 : i32
      %add3A_605 = arith.addi %add3A_603, %add3A_604 : i32
      %get3A_606 = arith.index_cast %add3A_605 : i32 to index
      %get3A_607 = tpu.vector_load %arg5[%get3A_606] {strides = array<i32>} : memref<12288xi32, #tpu.memory_space<vmem>>, vector<16xi32>,
      %get3A_608 = vector.shape_cast %get3A_607 : vector<16xi32> to vector<16xi32>
      %and3A_609 = arith.constant 65535 : i32
      %and3A_610 = vector.broadcast %and3A_609 : i32 to vector<16xi32>
      %and3A_611 = arith.andi %get3A_608, %and3A_610 : vector<16xi32>
      %swap3A_612 = arith.constant 1 : i32
      %swap3A_613 = arith.index_cast %swap3A_612 : i32 to index
      %swap3A_614 = arith.constant 80 : index
      %swap3A_615 = tpu.vector_load %arg6[%swap3A_613, %swap3A_614] {strides = array<i32>} : memref<2x96xi32, #tpu.memory_space<vmem>>, vector<1x16xi32>,
      %swap3A_616 = vector.shape_cast %swap3A_615 : vector<1x16xi32> to vector<16xi32>
      %swap3A_617 = vector.shape_cast %and3A_611 : vector<16xi32> to vector<1x16xi32>
      tpu.vector_store %arg6[%swap3A_613, %swap3A_614], %swap3A_617 {strides = array<i32>} : memref<2x96xi32, #tpu.memory_space<vmem>>, vector<1x16xi32>,
      %shift_right_logical3A_618 = arith.constant 16 : i32
      %shift_right_logical3A_619 = vector.broadcast %shift_right_logical3A_618 : i32 to vector<16xi32>
      %shift_right_logical3A_620 = arith.shrui %get3A_608, %shift_right_logical3A_619 : vector<16xi32>
      %swap3A_621 = arith.constant 1 : i32
      %swap3A_622 = arith.index_cast %swap3A_621 : i32 to index
      %swap3A_623 = arith.constant 80 : index
      %swap3A_624 = tpu.vector_load %arg7[%swap3A_622, %swap3A_623] {strides = array<i32>} : memref<2x96xi32, #tpu.memory_space<vmem>>, vector<1x16xi32>,
      %swap3A_625 = vector.shape_cast %swap3A_624 : vector<1x16xi32> to vector<16xi32>
      %swap3A_626 = vector.shape_cast %shift_right_logical3A_620 : vector<16xi32> to vector<1x16xi32>
      tpu.vector_store %arg7[%swap3A_622, %swap3A_623], %swap3A_626 {strides = array<i32>} : memref<2x96xi32, #tpu.memory_space<vmem>>, vector<1x16xi32>,
      %dma_start3A_627 = arith.constant 0 : i32
      %dma_start3A_628 = arith.constant 0 : i32
      %dma_start3A_629 = tpu.memref_slice %arg6[%dma_start3A_627, %dma_start3A_628] : memref<2x96xi32, #tpu.memory_space<vmem>> -> memref<1x96xi32, #tpu.memory_space<vmem>>
      %dma_start3A_630 = tpu.memref_squeeze %dma_start3A_629 : memref<1x96xi32, #tpu.memory_space<vmem>> -> memref<96xi32, #tpu.memory_space<vmem>>
      %dma_start3A_631 = arith.constant 0 : i32
      %dma_start3A_632 = arith.constant 0 : i32
      %dma_start3A_633 = tpu.memref_slice %arg2[%dma_start3A_631, %dma_start3A_632] : memref<40000x128xf32, #tpu.memory_space<hbm>> -> memref<40000x128xf32, #tpu.memory_space<hbm>>
      tpu.enqueue_indirect_dma source(%dma_start3A_633 : memref<40000x128xf32, #tpu.memory_space<hbm>>) target(%arg8 : memref<96x128xf32, #tpu.memory_space<vmem>>) offsets(%dma_start3A_630 : memref<96xi32, #tpu.memory_space<vmem>>) semaphore(%arg11 : memref<!tpu.dma_semaphore, #tpu.memory_space<semaphore_mem>>)
      %dma_start3A_634 = arith.constant 1 : i32
      %dma_start3A_635 = arith.constant 0 : i32
      %dma_start3A_636 = tpu.memref_slice %arg6[%dma_start3A_634, %dma_start3A_635] : memref<2x96xi32, #tpu.memory_space<vmem>> -> memref<1x96xi32, #tpu.memory_space<vmem>>
      %dma_start3A_637 = tpu.memref_squeeze %dma_start3A_636 : memref<1x96xi32, #tpu.memory_space<vmem>> -> memref<96xi32, #tpu.memory_space<vmem>>
      %dma_start3A_638 = arith.constant 0 : i32
      %dma_start3A_639 = arith.constant 0 : i32
      %dma_start3A_640 = tpu.memref_slice %arg2[%dma_start3A_638, %dma_start3A_639] : memref<40000x128xf32, #tpu.memory_space<hbm>> -> memref<40000x128xf32, #tpu.memory_space<hbm>>
      tpu.enqueue_indirect_dma source(%dma_start3A_640 : memref<40000x128xf32, #tpu.memory_space<hbm>>) target(%arg9 : memref<96x128xf32, #tpu.memory_space<vmem>>) offsets(%dma_start3A_637 : memref<96xi32, #tpu.memory_space<vmem>>) semaphore(%arg12 : memref<!tpu.dma_semaphore, #tpu.memory_space<semaphore_mem>>)
      %dma_wait3A_641 = arith.constant 0 : i32
      %dma_wait3A_642 = arith.constant 0 : i32
      %dma_wait3A_643 = tpu.memref_slice %arg6[%dma_wait3A_641, %dma_wait3A_642] : memref<2x96xi32, #tpu.memory_space<vmem>> -> memref<1x96xi32, #tpu.memory_space<vmem>>
      %dma_wait3A_644 = tpu.memref_squeeze %dma_wait3A_643 : memref<1x96xi32, #tpu.memory_space<vmem>> -> memref<96xi32, #tpu.memory_space<vmem>>
      %dma_wait3A_645 = arith.constant 0 : i32
      %dma_wait3A_646 = arith.constant 0 : i32
      %dma_wait3A_647 = tpu.memref_slice %arg2[%dma_wait3A_645, %dma_wait3A_646] : memref<40000x128xf32, #tpu.memory_space<hbm>> -> memref<40000x128xf32, #tpu.memory_space<hbm>>
      tpu.wait_indirect_dma semaphore(%arg11 : memref<!tpu.dma_semaphore, #tpu.memory_space<semaphore_mem>>) src(%dma_wait3A_647 : memref<40000x128xf32, #tpu.memory_space<hbm>>) dst(%arg8 : memref<96x128xf32, #tpu.memory_space<vmem>>)
      %dma_start3A_648 = arith.constant 0 : i32
      %dma_start3A_649 = arith.constant 0 : i32
      %dma_start3A_650 = tpu.memref_slice %arg7[%dma_start3A_648, %dma_start3A_649] : memref<2x96xi32, #tpu.memory_space<vmem>> -> memref<1x96xi32, #tpu.memory_space<vmem>>
      %dma_start3A_651 = tpu.memref_squeeze %dma_start3A_650 : memref<1x96xi32, #tpu.memory_space<vmem>> -> memref<96xi32, #tpu.memory_space<vmem>>
      %dma_start3A_652 = arith.constant 0 : i32
      %dma_start3A_653 = arith.constant 0 : i32
      %dma_start3A_654 = tpu.memref_slice %arg10[%dma_start3A_652, %dma_start3A_653] : memref<10112x128xf32, #tpu.memory_space<vmem_shared>> -> memref<10112x128xf32, #tpu.memory_space<vmem_shared>>
      tpu.enqueue_indirect_dma source(%arg8 : memref<96x128xf32, #tpu.memory_space<vmem>>) target(%dma_start3A_654 : memref<10112x128xf32, #tpu.memory_space<vmem_shared>>) offsets(%dma_start3A_651 : memref<96xi32, #tpu.memory_space<vmem>>) semaphore(%arg13 : memref<!tpu.dma_semaphore, #tpu.memory_space<semaphore_mem>>) {add = true}
      %dma_wait3A_655 = arith.constant 1 : i32
      %dma_wait3A_656 = arith.constant 0 : i32
      %dma_wait3A_657 = tpu.memref_slice %arg6[%dma_wait3A_655, %dma_wait3A_656] : memref<2x96xi32, #tpu.memory_space<vmem>> -> memref<1x96xi32, #tpu.memory_space<vmem>>
      %dma_wait3A_658 = tpu.memref_squeeze %dma_wait3A_657 : memref<1x96xi32, #tpu.memory_space<vmem>> -> memref<96xi32, #tpu.memory_space<vmem>>
      %dma_wait3A_659 = arith.constant 0 : i32
      %dma_wait3A_660 = arith.constant 0 : i32
      %dma_wait3A_661 = tpu.memref_slice %arg2[%dma_wait3A_659, %dma_wait3A_660] : memref<40000x128xf32, #tpu.memory_space<hbm>> -> memref<40000x128xf32, #tpu.memory_space<hbm>>
      tpu.wait_indirect_dma semaphore(%arg12 : memref<!tpu.dma_semaphore, #tpu.memory_space<semaphore_mem>>) src(%dma_wait3A_661 : memref<40000x128xf32, #tpu.memory_space<hbm>>) dst(%arg9 : memref<96x128xf32, #tpu.memory_space<vmem>>)
      %run_scoped3A = arith.constant 1 : i32
      "tpu.region"() ({
        %run_scoped3A_669 = tpu.sem_alloc : memref<!tpu.dma_semaphore, #tpu.memory_space<semaphore_mem>>
        %dma_start3A_670 = arith.constant 0 : i32
        %dma_start3A_671 = tpu.memref_slice %arg7[%run_scoped3A, %dma_start3A_670] : memref<2x96xi32, #tpu.memory_space<vmem>> -> memref<1x96xi32, #tpu.memory_space<vmem>>
        %dma_start3A_672 = tpu.memref_squeeze %dma_start3A_671 : memref<1x96xi32, #tpu.memory_space<vmem>> -> memref<96xi32, #tpu.memory_space<vmem>>
        %dma_start3A_673 = arith.constant 0 : i32
        %dma_start3A_674 = arith.constant 0 : i32
        %dma_start3A_675 = tpu.memref_slice %arg10[%dma_start3A_673, %dma_start3A_674] : memref<10112x128xf32, #tpu.memory_space<vmem_shared>> -> memref<10112x128xf32, #tpu.memory_space<vmem_shared>>
        tpu.enqueue_indirect_dma source(%arg9 : memref<96x128xf32, #tpu.memory_space<vmem>>) target(%dma_start3A_675 : memref<10112x128xf32, #tpu.memory_space<vmem_shared>>) offsets(%dma_start3A_672 : memref<96xi32, #tpu.memory_space<vmem>>) semaphore(%run_scoped3A_669 : memref<!tpu.dma_semaphore, #tpu.memory_space<semaphore_mem>>) {add = true}
        %dma_wait3A_676 = arith.constant 0 : i32
        %dma_wait3A_677 = tpu.memref_slice %arg7[%run_scoped3A, %dma_wait3A_676] : memref<2x96xi32, #tpu.memory_space<vmem>> -> memref<1x96xi32, #tpu.memory_space<vmem>>
        %dma_wait3A_678 = tpu.memref_squeeze %dma_wait3A_677 : memref<1x96xi32, #tpu.memory_space<vmem>> -> memref<96xi32, #tpu.memory_space<vmem>>
        %dma_wait3A_679 = arith.constant 0 : i32
        %dma_wait3A_680 = arith.constant 0 : i32
        %dma_wait3A_681 = tpu.memref_slice %arg10[%dma_wait3A_679, %dma_wait3A_680] : memref<10112x128xf32, #tpu.memory_space<vmem_shared>> -> memref<10112x128xf32, #tpu.memory_space<vmem_shared>>
        tpu.wait_indirect_dma semaphore(%run_scoped3A_669 : memref<!tpu.dma_semaphore, #tpu.memory_space<semaphore_mem>>) src(%arg9 : memref<96x128xf32, #tpu.memory_space<vmem>>) dst(%dma_wait3A_681 : memref<10112x128xf32, #tpu.memory_space<vmem_shared>>)
        tpu.yield
      }) : () -> ()
      %dma_wait3A_662 = arith.constant 0 : i32
      %dma_wait3A_663 = arith.constant 0 : i32
      %dma_wait3A_664 = tpu.memref_slice %arg7[%dma_wait3A_662, %dma_wait3A_663] : memref<2x96xi32, #tpu.memory_space<vmem>> -> memref<1x96xi32, #tpu.memory_space<vmem>>
      %dma_wait3A_665 = tpu.memref_squeeze %dma_wait3A_664 : memref<1x96xi32, #tpu.memory_space<vmem>> -> memref<96xi32, #tpu.memory_space<vmem>>
      %dma_wait3A_666 = arith.constant 0 : i32
      %dma_wait3A_667 = arith.constant 0 : i32
      %dma_wait3A_668 = tpu.memref_slice %arg10[%dma_wait3A_666, %dma_wait3A_667] : memref<10112x128xf32, #tpu.memory_space<vmem_shared>> -> memref<10112x128xf32, #tpu.memory_space<vmem_shared>>
      tpu.wait_indirect_dma semaphore(%arg13 : memref<!tpu.dma_semaphore, #tpu.memory_space<semaphore_mem>>) src(%arg8 : memref<96x128xf32, #tpu.memory_space<vmem>>) dst(%dma_wait3A_668 : memref<10112x128xf32, #tpu.memory_space<vmem_shared>>)
    }
    %barrier3A_129 = arith.constant 0 : index
    tpu.barrier barrier_id(%barrier3A_129)
    %add3A_130 = arith.constant 0 : i32
    %add3A_131 = arith.addi %mul3A_0, %add3A_130 : i32
    "tpu.region"() ({
      %run_scoped3A = tpu.sem_alloc : memref<!tpu.dma_semaphore, #tpu.memory_space<semaphore_mem>>
      %dma_start3A_326 = arith.constant 0 : i32
      %dma_start3A_327 = arith.constant 0 : i32
      %dma_start3A_328 = tpu.memref_slice %arg8[%dma_start3A_326, %dma_start3A_327] : memref<96x128xf32, #tpu.memory_space<vmem>> -> memref<96x128xf32, #tpu.memory_space<vmem>>
      %dma_start3A_329 = arith.constant 0 : i32
      %dma_start3A_330 = tpu.memref_slice %arg10[%add3A_131, %dma_start3A_329] : memref<10112x128xf32, #tpu.memory_space<vmem_shared>> -> memref<96x128xf32, #tpu.memory_space<vmem_shared>>
      %dma_start3A_331 = arith.constant 0 : i32
      %dma_start3A_332 = arith.constant 0 : i32
      %dma_start3A_333 = tpu.memref_slice %arg8[%dma_start3A_331, %dma_start3A_332] : memref<96x128xf32, #tpu.memory_space<vmem>> -> memref<96x128xf32, #tpu.memory_space<vmem>>
      %dma_start3A_334 = arith.constant 0 : i32
      %dma_start3A_335 = tpu.memref_slice %arg10[%add3A_131, %dma_start3A_334] : memref<10112x128xf32, #tpu.memory_space<vmem_shared>> -> memref<96x128xf32, #tpu.memory_space<vmem_shared>>
      tpu.enqueue_dma source(%dma_start3A_335 : memref<96x128xf32, #tpu.memory_space<vmem_shared>>) target(%dma_start3A_333 : memref<96x128xf32, #tpu.memory_space<vmem>>) target_semaphore(%run_scoped3A : memref<!tpu.dma_semaphore, #tpu.memory_space<semaphore_mem>>)
      %dma_wait3A_336 = arith.constant 0 : i32
      %dma_wait3A_337 = arith.constant 0 : i32
      %dma_wait3A_338 = tpu.memref_slice %arg8[%dma_wait3A_336, %dma_wait3A_337] : memref<96x128xf32, #tpu.memory_space<vmem>> -> memref<96x128xf32, #tpu.memory_space<vmem>>
      %dma_wait3A_339 = arith.constant 0 : i32
      %dma_wait3A_340 = tpu.memref_slice %arg10[%add3A_131, %dma_wait3A_339] : memref<10112x128xf32, #tpu.memory_space<vmem_shared>> -> memref<96x128xf32, #tpu.memory_space<vmem_shared>>
      %dma_wait3A_341 = arith.constant 0 : i32
      %dma_wait3A_342 = arith.constant 0 : i32
      %dma_wait3A_343 = tpu.memref_slice %arg8[%dma_wait3A_341, %dma_wait3A_342] : memref<96x128xf32, #tpu.memory_space<vmem>> -> memref<96x128xf32, #tpu.memory_space<vmem>>
      %dma_wait3A_344 = arith.constant 0 : i32
      %dma_wait3A_345 = tpu.memref_slice %arg10[%add3A_131, %dma_wait3A_344] : memref<10112x128xf32, #tpu.memory_space<vmem_shared>> -> memref<96x128xf32, #tpu.memory_space<vmem_shared>>
      tpu.wait_dma2 semaphore(%run_scoped3A : memref<!tpu.dma_semaphore, #tpu.memory_space<semaphore_mem>>) src(%dma_wait3A_345 : memref<96x128xf32, #tpu.memory_space<vmem_shared>>) dst(%dma_wait3A_343 : memref<96x128xf32, #tpu.memory_space<vmem>>)
      tpu.yield
    }) : () -> ()
    %dma_start3A_132 = arith.constant 0 : i32
    %dma_start3A_133 = arith.constant 0 : i32
    %dma_start3A_134 = tpu.memref_slice %arg8[%dma_start3A_132, %dma_start3A_133] : memref<96x128xf32, #tpu.memory_space<vmem>> -> memref<96x128xf32, #tpu.memory_space<vmem>>
    %dma_start3A_135 = arith.constant 0 : i32
    %dma_start3A_136 = tpu.memref_slice %arg4[%arg0, %add3A_131, %dma_start3A_135] : memref<2x10112x128xf32, #tpu.memory_space<hbm>> -> memref<1x96x128xf32, #tpu.memory_space<hbm>>
    %dma_start3A_137 = tpu.memref_squeeze %dma_start3A_136 : memref<1x96x128xf32, #tpu.memory_space<hbm>> -> memref<96x128xf32, #tpu.memory_space<hbm>>
    %dma_start3A_138 = arith.constant 0 : i32
    %dma_start3A_139 = tpu.memref_slice %arg4[%arg0, %add3A_131, %dma_start3A_138] : memref<2x10112x128xf32, #tpu.memory_space<hbm>> -> memref<1x96x128xf32, #tpu.memory_space<hbm>>
    %dma_start3A_140 = tpu.memref_squeeze %dma_start3A_139 : memref<1x96x128xf32, #tpu.memory_space<hbm>> -> memref<96x128xf32, #tpu.memory_space<hbm>>
    %dma_start3A_141 = arith.constant 0 : i32
    %dma_start3A_142 = arith.constant 0 : i32
    %dma_start3A_143 = tpu.memref_slice %arg8[%dma_start3A_141, %dma_start3A_142] : memref<96x128xf32, #tpu.memory_space<vmem>> -> memref<96x128xf32, #tpu.memory_space<vmem>>
    tpu.enqueue_dma source(%dma_start3A_143 : memref<96x128xf32, #tpu.memory_space<vmem>>) target(%dma_start3A_140 : memref<96x128xf32, #tpu.memory_space<hbm>>) target_semaphore(%arg13 : memref<!tpu.dma_semaphore, #tpu.memory_space<semaphore_mem>>)
    %add3A_144 = arith.constant 96 : i32
    %add3A_145 = arith.addi %mul3A_0, %add3A_144 : i32
    "tpu.region"() ({
      %run_scoped3A = tpu.sem_alloc : memref<!tpu.dma_semaphore, #tpu.memory_space<semaphore_mem>>
      %dma_start3A_326 = arith.constant 0 : i32
      %dma_start3A_327 = arith.constant 0 : i32
      %dma_start3A_328 = tpu.memref_slice %arg9[%dma_start3A_326, %dma_start3A_327] : memref<96x128xf32, #tpu.memory_space<vmem>> -> memref<96x128xf32, #tpu.memory_space<vmem>>
      %dma_start3A_329 = arith.constant 0 : i32
      %dma_start3A_330 = tpu.memref_slice %arg10[%add3A_145, %dma_start3A_329] : memref<10112x128xf32, #tpu.memory_space<vmem_shared>> -> memref<96x128xf32, #tpu.memory_space<vmem_shared>>
      %dma_start3A_331 = arith.constant 0 : i32
      %dma_start3A_332 = arith.constant 0 : i32
      %dma_start3A_333 = tpu.memref_slice %arg9[%dma_start3A_331, %dma_start3A_332] : memref<96x128xf32, #tpu.memory_space<vmem>> -> memref<96x128xf32, #tpu.memory_space<vmem>>
      %dma_start3A_334 = arith.constant 0 : i32
      %dma_start3A_335 = tpu.memref_slice %arg10[%add3A_145, %dma_start3A_334] : memref<10112x128xf32, #tpu.memory_space<vmem_shared>> -> memref<96x128xf32, #tpu.memory_space<vmem_shared>>
      tpu.enqueue_dma source(%dma_start3A_335 : memref<96x128xf32, #tpu.memory_space<vmem_shared>>) target(%dma_start3A_333 : memref<96x128xf32, #tpu.memory_space<vmem>>) target_semaphore(%run_scoped3A : memref<!tpu.dma_semaphore, #tpu.memory_space<semaphore_mem>>)
      %dma_wait3A_336 = arith.constant 0 : i32
      %dma_wait3A_337 = arith.constant 0 : i32
      %dma_wait3A_338 = tpu.memref_slice %arg9[%dma_wait3A_336, %dma_wait3A_337] : memref<96x128xf32, #tpu.memory_space<vmem>> -> memref<96x128xf32, #tpu.memory_space<vmem>>
      %dma_wait3A_339 = arith.constant 0 : i32
      %dma_wait3A_340 = tpu.memref_slice %arg10[%add3A_145, %dma_wait3A_339] : memref<10112x128xf32, #tpu.memory_space<vmem_shared>> -> memref<96x128xf32, #tpu.memory_space<vmem_shared>>
      %dma_wait3A_341 = arith.constant 0 : i32
      %dma_wait3A_342 = arith.constant 0 : i32
      %dma_wait3A_343 = tpu.memref_slice %arg9[%dma_wait3A_341, %dma_wait3A_342] : memref<96x128xf32, #tpu.memory_space<vmem>> -> memref<96x128xf32, #tpu.memory_space<vmem>>
      %dma_wait3A_344 = arith.constant 0 : i32
      %dma_wait3A_345 = tpu.memref_slice %arg10[%add3A_145, %dma_wait3A_344] : memref<10112x128xf32, #tpu.memory_space<vmem_shared>> -> memref<96x128xf32, #tpu.memory_space<vmem_shared>>
      tpu.wait_dma2 semaphore(%run_scoped3A : memref<!tpu.dma_semaphore, #tpu.memory_space<semaphore_mem>>) src(%dma_wait3A_345 : memref<96x128xf32, #tpu.memory_space<vmem_shared>>) dst(%dma_wait3A_343 : memref<96x128xf32, #tpu.memory_space<vmem>>)
      tpu.yield
    }) : () -> ()
    %dma_start3A_146 = arith.constant 0 : i32
    %dma_start3A_147 = arith.constant 0 : i32
    %dma_start3A_148 = tpu.memref_slice %arg9[%dma_start3A_146, %dma_start3A_147] : memref<96x128xf32, #tpu.memory_space<vmem>> -> memref<96x128xf32, #tpu.memory_space<vmem>>
    %dma_start3A_149 = arith.constant 0 : i32
    %dma_start3A_150 = tpu.memref_slice %arg4[%arg0, %add3A_145, %dma_start3A_149] : memref<2x10112x128xf32, #tpu.memory_space<hbm>> -> memref<1x96x128xf32, #tpu.memory_space<hbm>>
    %dma_start3A_151 = tpu.memref_squeeze %dma_start3A_150 : memref<1x96x128xf32, #tpu.memory_space<hbm>> -> memref<96x128xf32, #tpu.memory_space<hbm>>
    %dma_start3A_152 = arith.constant 0 : i32
    %dma_start3A_153 = tpu.memref_slice %arg4[%arg0, %add3A_145, %dma_start3A_152] : memref<2x10112x128xf32, #tpu.memory_space<hbm>> -> memref<1x96x128xf32, #tpu.memory_space<hbm>>
    %dma_start3A_154 = tpu.memref_squeeze %dma_start3A_153 : memref<1x96x128xf32, #tpu.memory_space<hbm>> -> memref<96x128xf32, #tpu.memory_space<hbm>>
    %dma_start3A_155 = arith.constant 0 : i32
    %dma_start3A_156 = arith.constant 0 : i32
    %dma_start3A_157 = tpu.memref_slice %arg9[%dma_start3A_155, %dma_start3A_156] : memref<96x128xf32, #tpu.memory_space<vmem>> -> memref<96x128xf32, #tpu.memory_space<vmem>>
    tpu.enqueue_dma source(%dma_start3A_157 : memref<96x128xf32, #tpu.memory_space<vmem>>) target(%dma_start3A_154 : memref<96x128xf32, #tpu.memory_space<hbm>>) target_semaphore(%arg13 : memref<!tpu.dma_semaphore, #tpu.memory_space<semaphore_mem>>)
    %add3A_158 = arith.constant 192 : i32
    %add3A_159 = arith.addi %mul3A_0, %add3A_158 : i32
    %add3A_160 = arith.constant 0 : i32
    %add3A_161 = arith.addi %mul3A_0, %add3A_160 : i32
    %dma_wait3A_162 = arith.constant 0 : i32
    %dma_wait3A_163 = arith.constant 0 : i32
    %dma_wait3A_164 = tpu.memref_slice %arg8[%dma_wait3A_162, %dma_wait3A_163] : memref<96x128xf32, #tpu.memory_space<vmem>> -> memref<96x128xf32, #tpu.memory_space<vmem>>
    %dma_wait3A_165 = arith.constant 0 : i32
    %dma_wait3A_166 = tpu.memref_slice %arg4[%arg0, %add3A_161, %dma_wait3A_165] : memref<2x10112x128xf32, #tpu.memory_space<hbm>> -> memref<1x96x128xf32, #tpu.memory_space<hbm>>
    %dma_wait3A_167 = tpu.memref_squeeze %dma_wait3A_166 : memref<1x96x128xf32, #tpu.memory_space<hbm>> -> memref<96x128xf32, #tpu.memory_space<hbm>>
    %dma_wait3A_168 = arith.constant 0 : i32
    %dma_wait3A_169 = tpu.memref_slice %arg4[%arg0, %add3A_161, %dma_wait3A_168] : memref<2x10112x128xf32, #tpu.memory_space<hbm>> -> memref<1x96x128xf32, #tpu.memory_space<hbm>>
    %dma_wait3A_170 = tpu.memref_squeeze %dma_wait3A_169 : memref<1x96x128xf32, #tpu.memory_space<hbm>> -> memref<96x128xf32, #tpu.memory_space<hbm>>
    %dma_wait3A_171 = arith.constant 0 : i32
    %dma_wait3A_172 = arith.constant 0 : i32
    %dma_wait3A_173 = tpu.memref_slice %arg8[%dma_wait3A_171, %dma_wait3A_172] : memref<96x128xf32, #tpu.memory_space<vmem>> -> memref<96x128xf32, #tpu.memory_space<vmem>>
    tpu.wait_dma2 semaphore(%arg13 : memref<!tpu.dma_semaphore, #tpu.memory_space<semaphore_mem>>) src(%dma_wait3A_173 : memref<96x128xf32, #tpu.memory_space<vmem>>) dst(%dma_wait3A_170 : memref<96x128xf32, #tpu.memory_space<hbm>>)
    "tpu.region"() ({
      %run_scoped3A = tpu.sem_alloc : memref<!tpu.dma_semaphore, #tpu.memory_space<semaphore_mem>>
      %dma_start3A_326 = arith.constant 0 : i32
      %dma_start3A_327 = arith.constant 0 : i32
      %dma_start3A_328 = tpu.memref_slice %arg8[%dma_start3A_326, %dma_start3A_327] : memref<96x128xf32, #tpu.memory_space<vmem>> -> memref<96x128xf32, #tpu.memory_space<vmem>>
      %dma_start3A_329 = arith.constant 0 : i32
      %dma_start3A_330 = tpu.memref_slice %arg10[%add3A_159, %dma_start3A_329] : memref<10112x128xf32, #tpu.memory_space<vmem_shared>> -> memref<96x128xf32, #tpu.memory_space<vmem_shared>>
      %dma_start3A_331 = arith.constant 0 : i32
      %dma_start3A_332 = arith.constant 0 : i32
      %dma_start3A_333 = tpu.memref_slice %arg8[%dma_start3A_331, %dma_start3A_332] : memref<96x128xf32, #tpu.memory_space<vmem>> -> memref<96x128xf32, #tpu.memory_space<vmem>>
      %dma_start3A_334 = arith.constant 0 : i32
      %dma_start3A_335 = tpu.memref_slice %arg10[%add3A_159, %dma_start3A_334] : memref<10112x128xf32, #tpu.memory_space<vmem_shared>> -> memref<96x128xf32, #tpu.memory_space<vmem_shared>>
      tpu.enqueue_dma source(%dma_start3A_335 : memref<96x128xf32, #tpu.memory_space<vmem_shared>>) target(%dma_start3A_333 : memref<96x128xf32, #tpu.memory_space<vmem>>) target_semaphore(%run_scoped3A : memref<!tpu.dma_semaphore, #tpu.memory_space<semaphore_mem>>)
      %dma_wait3A_336 = arith.constant 0 : i32
      %dma_wait3A_337 = arith.constant 0 : i32
      %dma_wait3A_338 = tpu.memref_slice %arg8[%dma_wait3A_336, %dma_wait3A_337] : memref<96x128xf32, #tpu.memory_space<vmem>> -> memref<96x128xf32, #tpu.memory_space<vmem>>
      %dma_wait3A_339 = arith.constant 0 : i32
      %dma_wait3A_340 = tpu.memref_slice %arg10[%add3A_159, %dma_wait3A_339] : memref<10112x128xf32, #tpu.memory_space<vmem_shared>> -> memref<96x128xf32, #tpu.memory_space<vmem_shared>>
      %dma_wait3A_341 = arith.constant 0 : i32
      %dma_wait3A_342 = arith.constant 0 : i32
      %dma_wait3A_343 = tpu.memref_slice %arg8[%dma_wait3A_341, %dma_wait3A_342] : memref<96x128xf32, #tpu.memory_space<vmem>> -> memref<96x128xf32, #tpu.memory_space<vmem>>
      %dma_wait3A_344 = arith.constant 0 : i32
      %dma_wait3A_345 = tpu.memref_slice %arg10[%add3A_159, %dma_wait3A_344] : memref<10112x128xf32, #tpu.memory_space<vmem_shared>> -> memref<96x128xf32, #tpu.memory_space<vmem_shared>>
      tpu.wait_dma2 semaphore(%run_scoped3A : memref<!tpu.dma_semaphore, #tpu.memory_space<semaphore_mem>>) src(%dma_wait3A_345 : memref<96x128xf32, #tpu.memory_space<vmem_shared>>) dst(%dma_wait3A_343 : memref<96x128xf32, #tpu.memory_space<vmem>>)
      tpu.yield
    }) : () -> ()
    %dma_start3A_174 = arith.constant 0 : i32
    %dma_start3A_175 = arith.constant 0 : i32
    %dma_start3A_176 = tpu.memref_slice %arg8[%dma_start3A_174, %dma_start3A_175] : memref<96x128xf32, #tpu.memory_space<vmem>> -> memref<96x128xf32, #tpu.memory_space<vmem>>
    %dma_start3A_177 = arith.constant 0 : i32
    %dma_start3A_178 = tpu.memref_slice %arg4[%arg0, %add3A_159, %dma_start3A_177] : memref<2x10112x128xf32, #tpu.memory_space<hbm>> -> memref<1x96x128xf32, #tpu.memory_space<hbm>>
    %dma_start3A_179 = tpu.memref_squeeze %dma_start3A_178 : memref<1x96x128xf32, #tpu.memory_space<hbm>> -> memref<96x128xf32, #tpu.memory_space<hbm>>
    %dma_start3A_180 = arith.constant 0 : i32
    %dma_start3A_181 = tpu.memref_slice %arg4[%arg0, %add3A_159, %dma_start3A_180] : memref<2x10112x128xf32, #tpu.memory_space<hbm>> -> memref<1x96x128xf32, #tpu.memory_space<hbm>>
    %dma_start3A_182 = tpu.memref_squeeze %dma_start3A_181 : memref<1x96x128xf32, #tpu.memory_space<hbm>> -> memref<96x128xf32, #tpu.memory_space<hbm>>
    %dma_start3A_183 = arith.constant 0 : i32
    %dma_start3A_184 = arith.constant 0 : i32
    %dma_start3A_185 = tpu.memref_slice %arg8[%dma_start3A_183, %dma_start3A_184] : memref<96x128xf32, #tpu.memory_space<vmem>> -> memref<96x128xf32, #tpu.memory_space<vmem>>
    tpu.enqueue_dma source(%dma_start3A_185 : memref<96x128xf32, #tpu.memory_space<vmem>>) target(%dma_start3A_182 : memref<96x128xf32, #tpu.memory_space<hbm>>) target_semaphore(%arg13 : memref<!tpu.dma_semaphore, #tpu.memory_space<semaphore_mem>>)
    %add3A_186 = arith.constant 288 : i32
    %add3A_187 = arith.addi %mul3A_0, %add3A_186 : i32
    %add3A_188 = arith.constant 96 : i32
    %add3A_189 = arith.addi %mul3A_0, %add3A_188 : i32
    %dma_wait3A_190 = arith.constant 0 : i32
    %dma_wait3A_191 = arith.constant 0 : i32
    %dma_wait3A_192 = tpu.memref_slice %arg9[%dma_wait3A_190, %dma_wait3A_191] : memref<96x128xf32, #tpu.memory_space<vmem>> -> memref<96x128xf32, #tpu.memory_space<vmem>>
    %dma_wait3A_193 = arith.constant 0 : i32
    %dma_wait3A_194 = tpu.memref_slice %arg4[%arg0, %add3A_189, %dma_wait3A_193] : memref<2x10112x128xf32, #tpu.memory_space<hbm>> -> memref<1x96x128xf32, #tpu.memory_space<hbm>>
    %dma_wait3A_195 = tpu.memref_squeeze %dma_wait3A_194 : memref<1x96x128xf32, #tpu.memory_space<hbm>> -> memref<96x128xf32, #tpu.memory_space<hbm>>
    %dma_wait3A_196 = arith.constant 0 : i32
    %dma_wait3A_197 = tpu.memref_slice %arg4[%arg0, %add3A_189, %dma_wait3A_196] : memref<2x10112x128xf32, #tpu.memory_space<hbm>> -> memref<1x96x128xf32, #tpu.memory_space<hbm>>
    %dma_wait3A_198 = tpu.memref_squeeze %dma_wait3A_197 : memref<1x96x128xf32, #tpu.memory_space<hbm>> -> memref<96x128xf32, #tpu.memory_space<hbm>>
    %dma_wait3A_199 = arith.constant 0 : i32
    %dma_wait3A_200 = arith.constant 0 : i32
    %dma_wait3A_201 = tpu.memref_slice %arg9[%dma_wait3A_199, %dma_wait3A_200] : memref<96x128xf32, #tpu.memory_space<vmem>> -> memref<96x128xf32, #tpu.memory_space<vmem>>
    tpu.wait_dma2 semaphore(%arg13 : memref<!tpu.dma_semaphore, #tpu.memory_space<semaphore_mem>>) src(%dma_wait3A_201 : memref<96x128xf32, #tpu.memory_space<vmem>>) dst(%dma_wait3A_198 : memref<96x128xf32, #tpu.memory_space<hbm>>)
    "tpu.region"() ({
      %run_scoped3A = tpu.sem_alloc : memref<!tpu.dma_semaphore, #tpu.memory_space<semaphore_mem>>
      %dma_start3A_326 = arith.constant 0 : i32
      %dma_start3A_327 = arith.constant 0 : i32
      %dma_start3A_328 = tpu.memref_slice %arg9[%dma_start3A_326, %dma_start3A_327] : memref<96x128xf32, #tpu.memory_space<vmem>> -> memref<96x128xf32, #tpu.memory_space<vmem>>
      %dma_start3A_329 = arith.constant 0 : i32
      %dma_start3A_330 = tpu.memref_slice %arg10[%add3A_187, %dma_start3A_329] : memref<10112x128xf32, #tpu.memory_space<vmem_shared>> -> memref<96x128xf32, #tpu.memory_space<vmem_shared>>
      %dma_start3A_331 = arith.constant 0 : i32
      %dma_start3A_332 = arith.constant 0 : i32
      %dma_start3A_333 = tpu.memref_slice %arg9[%dma_start3A_331, %dma_start3A_332] : memref<96x128xf32, #tpu.memory_space<vmem>> -> memref<96x128xf32, #tpu.memory_space<vmem>>
      %dma_start3A_334 = arith.constant 0 : i32
      %dma_start3A_335 = tpu.memref_slice %arg10[%add3A_187, %dma_start3A_334] : memref<10112x128xf32, #tpu.memory_space<vmem_shared>> -> memref<96x128xf32, #tpu.memory_space<vmem_shared>>
      tpu.enqueue_dma source(%dma_start3A_335 : memref<96x128xf32, #tpu.memory_space<vmem_shared>>) target(%dma_start3A_333 : memref<96x128xf32, #tpu.memory_space<vmem>>) target_semaphore(%run_scoped3A : memref<!tpu.dma_semaphore, #tpu.memory_space<semaphore_mem>>)
      %dma_wait3A_336 = arith.constant 0 : i32
      %dma_wait3A_337 = arith.constant 0 : i32
      %dma_wait3A_338 = tpu.memref_slice %arg9[%dma_wait3A_336, %dma_wait3A_337] : memref<96x128xf32, #tpu.memory_space<vmem>> -> memref<96x128xf32, #tpu.memory_space<vmem>>
      %dma_wait3A_339 = arith.constant 0 : i32
      %dma_wait3A_340 = tpu.memref_slice %arg10[%add3A_187, %dma_wait3A_339] : memref<10112x128xf32, #tpu.memory_space<vmem_shared>> -> memref<96x128xf32, #tpu.memory_space<vmem_shared>>
      %dma_wait3A_341 = arith.constant 0 : i32
      %dma_wait3A_342 = arith.constant 0 : i32
      %dma_wait3A_343 = tpu.memref_slice %arg9[%dma_wait3A_341, %dma_wait3A_342] : memref<96x128xf32, #tpu.memory_space<vmem>> -> memref<96x128xf32, #tpu.memory_space<vmem>>
      %dma_wait3A_344 = arith.constant 0 : i32
      %dma_wait3A_345 = tpu.memref_slice %arg10[%add3A_187, %dma_wait3A_344] : memref<10112x128xf32, #tpu.memory_space<vmem_shared>> -> memref<96x128xf32, #tpu.memory_space<vmem_shared>>
      tpu.wait_dma2 semaphore(%run_scoped3A : memref<!tpu.dma_semaphore, #tpu.memory_space<semaphore_mem>>) src(%dma_wait3A_345 : memref<96x128xf32, #tpu.memory_space<vmem_shared>>) dst(%dma_wait3A_343 : memref<96x128xf32, #tpu.memory_space<vmem>>)
      tpu.yield
    }) : () -> ()
    %dma_start3A_202 = arith.constant 0 : i32
    %dma_start3A_203 = arith.constant 0 : i32
    %dma_start3A_204 = tpu.memref_slice %arg9[%dma_start3A_202, %dma_start3A_203] : memref<96x128xf32, #tpu.memory_space<vmem>> -> memref<96x128xf32, #tpu.memory_space<vmem>>
    %dma_start3A_205 = arith.constant 0 : i32
    %dma_start3A_206 = tpu.memref_slice %arg4[%arg0, %add3A_187, %dma_start3A_205] : memref<2x10112x128xf32, #tpu.memory_space<hbm>> -> memref<1x96x128xf32, #tpu.memory_space<hbm>>
    %dma_start3A_207 = tpu.memref_squeeze %dma_start3A_206 : memref<1x96x128xf32, #tpu.memory_space<hbm>> -> memref<96x128xf32, #tpu.memory_space<hbm>>
    %dma_start3A_208 = arith.constant 0 : i32
    %dma_start3A_209 = tpu.memref_slice %arg4[%arg0, %add3A_187, %dma_start3A_208] : memref<2x10112x128xf32, #tpu.memory_space<hbm>> -> memref<1x96x128xf32, #tpu.memory_space<hbm>>
    %dma_start3A_210 = tpu.memref_squeeze %dma_start3A_209 : memref<1x96x128xf32, #tpu.memory_space<hbm>> -> memref<96x128xf32, #tpu.memory_space<hbm>>
    %dma_start3A_211 = arith.constant 0 : i32
    %dma_start3A_212 = arith.constant 0 : i32
    %dma_start3A_213 = tpu.memref_slice %arg9[%dma_start3A_211, %dma_start3A_212] : memref<96x128xf32, #tpu.memory_space<vmem>> -> memref<96x128xf32, #tpu.memory_space<vmem>>
    tpu.enqueue_dma source(%dma_start3A_213 : memref<96x128xf32, #tpu.memory_space<vmem>>) target(%dma_start3A_210 : memref<96x128xf32, #tpu.memory_space<hbm>>) target_semaphore(%arg13 : memref<!tpu.dma_semaphore, #tpu.memory_space<semaphore_mem>>)
    %add3A_214 = arith.constant 384 : i32
    %add3A_215 = arith.addi %mul3A_0, %add3A_214 : i32
    %add3A_216 = arith.constant 192 : i32
    %add3A_217 = arith.addi %mul3A_0, %add3A_216 : i32
    %dma_wait3A_218 = arith.constant 0 : i32
    %dma_wait3A_219 = arith.constant 0 : i32
    %dma_wait3A_220 = tpu.memref_slice %arg8[%dma_wait3A_218, %dma_wait3A_219] : memref<96x128xf32, #tpu.memory_space<vmem>> -> memref<96x128xf32, #tpu.memory_space<vmem>>
    %dma_wait3A_221 = arith.constant 0 : i32
    %dma_wait3A_222 = tpu.memref_slice %arg4[%arg0, %add3A_217, %dma_wait3A_221] : memref<2x10112x128xf32, #tpu.memory_space<hbm>> -> memref<1x96x128xf32, #tpu.memory_space<hbm>>
    %dma_wait3A_223 = tpu.memref_squeeze %dma_wait3A_222 : memref<1x96x128xf32, #tpu.memory_space<hbm>> -> memref<96x128xf32, #tpu.memory_space<hbm>>
    %dma_wait3A_224 = arith.constant 0 : i32
    %dma_wait3A_225 = tpu.memref_slice %arg4[%arg0, %add3A_217, %dma_wait3A_224] : memref<2x10112x128xf32, #tpu.memory_space<hbm>> -> memref<1x96x128xf32, #tpu.memory_space<hbm>>
    %dma_wait3A_226 = tpu.memref_squeeze %dma_wait3A_225 : memref<1x96x128xf32, #tpu.memory_space<hbm>> -> memref<96x128xf32, #tpu.memory_space<hbm>>
    %dma_wait3A_227 = arith.constant 0 : i32
    %dma_wait3A_228 = arith.constant 0 : i32
    %dma_wait3A_229 = tpu.memref_slice %arg8[%dma_wait3A_227, %dma_wait3A_228] : memref<96x128xf32, #tpu.memory_space<vmem>> -> memref<96x128xf32, #tpu.memory_space<vmem>>
    tpu.wait_dma2 semaphore(%arg13 : memref<!tpu.dma_semaphore, #tpu.memory_space<semaphore_mem>>) src(%dma_wait3A_229 : memref<96x128xf32, #tpu.memory_space<vmem>>) dst(%dma_wait3A_226 : memref<96x128xf32, #tpu.memory_space<hbm>>)
    "tpu.region"() ({
      %run_scoped3A = tpu.sem_alloc : memref<!tpu.dma_semaphore, #tpu.memory_space<semaphore_mem>>
      %dma_start3A_326 = arith.constant 0 : i32
      %dma_start3A_327 = arith.constant 0 : i32
      %dma_start3A_328 = tpu.memref_slice %arg8[%dma_start3A_326, %dma_start3A_327] : memref<96x128xf32, #tpu.memory_space<vmem>> -> memref<96x128xf32, #tpu.memory_space<vmem>>
      %dma_start3A_329 = arith.constant 0 : i32
      %dma_start3A_330 = tpu.memref_slice %arg10[%add3A_215, %dma_start3A_329] : memref<10112x128xf32, #tpu.memory_space<vmem_shared>> -> memref<96x128xf32, #tpu.memory_space<vmem_shared>>
      %dma_start3A_331 = arith.constant 0 : i32
      %dma_start3A_332 = arith.constant 0 : i32
      %dma_start3A_333 = tpu.memref_slice %arg8[%dma_start3A_331, %dma_start3A_332] : memref<96x128xf32, #tpu.memory_space<vmem>> -> memref<96x128xf32, #tpu.memory_space<vmem>>
      %dma_start3A_334 = arith.constant 0 : i32
      %dma_start3A_335 = tpu.memref_slice %arg10[%add3A_215, %dma_start3A_334] : memref<10112x128xf32, #tpu.memory_space<vmem_shared>> -> memref<96x128xf32, #tpu.memory_space<vmem_shared>>
      tpu.enqueue_dma source(%dma_start3A_335 : memref<96x128xf32, #tpu.memory_space<vmem_shared>>) target(%dma_start3A_333 : memref<96x128xf32, #tpu.memory_space<vmem>>) target_semaphore(%run_scoped3A : memref<!tpu.dma_semaphore, #tpu.memory_space<semaphore_mem>>)
      %dma_wait3A_336 = arith.constant 0 : i32
      %dma_wait3A_337 = arith.constant 0 : i32
      %dma_wait3A_338 = tpu.memref_slice %arg8[%dma_wait3A_336, %dma_wait3A_337] : memref<96x128xf32, #tpu.memory_space<vmem>> -> memref<96x128xf32, #tpu.memory_space<vmem>>
      %dma_wait3A_339 = arith.constant 0 : i32
      %dma_wait3A_340 = tpu.memref_slice %arg10[%add3A_215, %dma_wait3A_339] : memref<10112x128xf32, #tpu.memory_space<vmem_shared>> -> memref<96x128xf32, #tpu.memory_space<vmem_shared>>
      %dma_wait3A_341 = arith.constant 0 : i32
      %dma_wait3A_342 = arith.constant 0 : i32
      %dma_wait3A_343 = tpu.memref_slice %arg8[%dma_wait3A_341, %dma_wait3A_342] : memref<96x128xf32, #tpu.memory_space<vmem>> -> memref<96x128xf32, #tpu.memory_space<vmem>>
      %dma_wait3A_344 = arith.constant 0 : i32
      %dma_wait3A_345 = tpu.memref_slice %arg10[%add3A_215, %dma_wait3A_344] : memref<10112x128xf32, #tpu.memory_space<vmem_shared>> -> memref<96x128xf32, #tpu.memory_space<vmem_shared>>
      tpu.wait_dma2 semaphore(%run_scoped3A : memref<!tpu.dma_semaphore, #tpu.memory_space<semaphore_mem>>) src(%dma_wait3A_345 : memref<96x128xf32, #tpu.memory_space<vmem_shared>>) dst(%dma_wait3A_343 : memref<96x128xf32, #tpu.memory_space<vmem>>)
      tpu.yield
    }) : () -> ()
    %dma_start3A_230 = arith.constant 0 : i32
    %dma_start3A_231 = arith.constant 0 : i32
    %dma_start3A_232 = tpu.memref_slice %arg8[%dma_start3A_230, %dma_start3A_231] : memref<96x128xf32, #tpu.memory_space<vmem>> -> memref<96x128xf32, #tpu.memory_space<vmem>>
    %dma_start3A_233 = arith.constant 0 : i32
    %dma_start3A_234 = tpu.memref_slice %arg4[%arg0, %add3A_215, %dma_start3A_233] : memref<2x10112x128xf32, #tpu.memory_space<hbm>> -> memref<1x96x128xf32, #tpu.memory_space<hbm>>
    %dma_start3A_235 = tpu.memref_squeeze %dma_start3A_234 : memref<1x96x128xf32, #tpu.memory_space<hbm>> -> memref<96x128xf32, #tpu.memory_space<hbm>>
    %dma_start3A_236 = arith.constant 0 : i32
    %dma_start3A_237 = tpu.memref_slice %arg4[%arg0, %add3A_215, %dma_start3A_236] : memref<2x10112x128xf32, #tpu.memory_space<hbm>> -> memref<1x96x128xf32, #tpu.memory_space<hbm>>
    %dma_start3A_238 = tpu.memref_squeeze %dma_start3A_237 : memref<1x96x128xf32, #tpu.memory_space<hbm>> -> memref<96x128xf32, #tpu.memory_space<hbm>>
    %dma_start3A_239 = arith.constant 0 : i32
    %dma_start3A_240 = arith.constant 0 : i32
    %dma_start3A_241 = tpu.memref_slice %arg8[%dma_start3A_239, %dma_start3A_240] : memref<96x128xf32, #tpu.memory_space<vmem>> -> memref<96x128xf32, #tpu.memory_space<vmem>>
    tpu.enqueue_dma source(%dma_start3A_241 : memref<96x128xf32, #tpu.memory_space<vmem>>) target(%dma_start3A_238 : memref<96x128xf32, #tpu.memory_space<hbm>>) target_semaphore(%arg13 : memref<!tpu.dma_semaphore, #tpu.memory_space<semaphore_mem>>)
    %add3A_242 = arith.constant 480 : i32
    %add3A_243 = arith.addi %mul3A_0, %add3A_242 : i32
    %add3A_244 = arith.constant 288 : i32
    %add3A_245 = arith.addi %mul3A_0, %add3A_244 : i32
    %dma_wait3A_246 = arith.constant 0 : i32
    %dma_wait3A_247 = arith.constant 0 : i32
    %dma_wait3A_248 = tpu.memref_slice %arg9[%dma_wait3A_246, %dma_wait3A_247] : memref<96x128xf32, #tpu.memory_space<vmem>> -> memref<96x128xf32, #tpu.memory_space<vmem>>
    %dma_wait3A_249 = arith.constant 0 : i32
    %dma_wait3A_250 = tpu.memref_slice %arg4[%arg0, %add3A_245, %dma_wait3A_249] : memref<2x10112x128xf32, #tpu.memory_space<hbm>> -> memref<1x96x128xf32, #tpu.memory_space<hbm>>
    %dma_wait3A_251 = tpu.memref_squeeze %dma_wait3A_250 : memref<1x96x128xf32, #tpu.memory_space<hbm>> -> memref<96x128xf32, #tpu.memory_space<hbm>>
    %dma_wait3A_252 = arith.constant 0 : i32
    %dma_wait3A_253 = tpu.memref_slice %arg4[%arg0, %add3A_245, %dma_wait3A_252] : memref<2x10112x128xf32, #tpu.memory_space<hbm>> -> memref<1x96x128xf32, #tpu.memory_space<hbm>>
    %dma_wait3A_254 = tpu.memref_squeeze %dma_wait3A_253 : memref<1x96x128xf32, #tpu.memory_space<hbm>> -> memref<96x128xf32, #tpu.memory_space<hbm>>
    %dma_wait3A_255 = arith.constant 0 : i32
    %dma_wait3A_256 = arith.constant 0 : i32
    %dma_wait3A_257 = tpu.memref_slice %arg9[%dma_wait3A_255, %dma_wait3A_256] : memref<96x128xf32, #tpu.memory_space<vmem>> -> memref<96x128xf32, #tpu.memory_space<vmem>>
    tpu.wait_dma2 semaphore(%arg13 : memref<!tpu.dma_semaphore, #tpu.memory_space<semaphore_mem>>) src(%dma_wait3A_257 : memref<96x128xf32, #tpu.memory_space<vmem>>) dst(%dma_wait3A_254 : memref<96x128xf32, #tpu.memory_space<hbm>>)
    "tpu.region"() ({
      %run_scoped3A = tpu.sem_alloc : memref<!tpu.dma_semaphore, #tpu.memory_space<semaphore_mem>>
      %dma_start3A_326 = arith.constant 0 : i32
      %dma_start3A_327 = arith.constant 0 : i32
      %dma_start3A_328 = tpu.memref_slice %arg9[%dma_start3A_326, %dma_start3A_327] : memref<96x128xf32, #tpu.memory_space<vmem>> -> memref<96x128xf32, #tpu.memory_space<vmem>>
      %dma_start3A_329 = arith.constant 0 : i32
      %dma_start3A_330 = tpu.memref_slice %arg10[%add3A_243, %dma_start3A_329] : memref<10112x128xf32, #tpu.memory_space<vmem_shared>> -> memref<96x128xf32, #tpu.memory_space<vmem_shared>>
      %dma_start3A_331 = arith.constant 0 : i32
      %dma_start3A_332 = arith.constant 0 : i32
      %dma_start3A_333 = tpu.memref_slice %arg9[%dma_start3A_331, %dma_start3A_332] : memref<96x128xf32, #tpu.memory_space<vmem>> -> memref<96x128xf32, #tpu.memory_space<vmem>>
      %dma_start3A_334 = arith.constant 0 : i32
      %dma_start3A_335 = tpu.memref_slice %arg10[%add3A_243, %dma_start3A_334] : memref<10112x128xf32, #tpu.memory_space<vmem_shared>> -> memref<96x128xf32, #tpu.memory_space<vmem_shared>>
      tpu.enqueue_dma source(%dma_start3A_335 : memref<96x128xf32, #tpu.memory_space<vmem_shared>>) target(%dma_start3A_333 : memref<96x128xf32, #tpu.memory_space<vmem>>) target_semaphore(%run_scoped3A : memref<!tpu.dma_semaphore, #tpu.memory_space<semaphore_mem>>)
      %dma_wait3A_336 = arith.constant 0 : i32
      %dma_wait3A_337 = arith.constant 0 : i32
      %dma_wait3A_338 = tpu.memref_slice %arg9[%dma_wait3A_336, %dma_wait3A_337] : memref<96x128xf32, #tpu.memory_space<vmem>> -> memref<96x128xf32, #tpu.memory_space<vmem>>
      %dma_wait3A_339 = arith.constant 0 : i32
      %dma_wait3A_340 = tpu.memref_slice %arg10[%add3A_243, %dma_wait3A_339] : memref<10112x128xf32, #tpu.memory_space<vmem_shared>> -> memref<96x128xf32, #tpu.memory_space<vmem_shared>>
      %dma_wait3A_341 = arith.constant 0 : i32
      %dma_wait3A_342 = arith.constant 0 : i32
      %dma_wait3A_343 = tpu.memref_slice %arg9[%dma_wait3A_341, %dma_wait3A_342] : memref<96x128xf32, #tpu.memory_space<vmem>> -> memref<96x128xf32, #tpu.memory_space<vmem>>
      %dma_wait3A_344 = arith.constant 0 : i32
      %dma_wait3A_345 = tpu.memref_slice %arg10[%add3A_243, %dma_wait3A_344] : memref<10112x128xf32, #tpu.memory_space<vmem_shared>> -> memref<96x128xf32, #tpu.memory_space<vmem_shared>>
      tpu.wait_dma2 semaphore(%run_scoped3A : memref<!tpu.dma_semaphore, #tpu.memory_space<semaphore_mem>>) src(%dma_wait3A_345 : memref<96x128xf32, #tpu.memory_space<vmem_shared>>) dst(%dma_wait3A_343 : memref<96x128xf32, #tpu.memory_space<vmem>>)
      tpu.yield
    }) : () -> ()
    %dma_start3A_258 = arith.constant 0 : i32
    %dma_start3A_259 = arith.constant 0 : i32
    %dma_start3A_260 = tpu.memref_slice %arg9[%dma_start3A_258, %dma_start3A_259] : memref<96x128xf32, #tpu.memory_space<vmem>> -> memref<96x128xf32, #tpu.memory_space<vmem>>
    %dma_start3A_261 = arith.constant 0 : i32
    %dma_start3A_262 = tpu.memref_slice %arg4[%arg0, %add3A_243, %dma_start3A_261] : memref<2x10112x128xf32, #tpu.memory_space<hbm>> -> memref<1x96x128xf32, #tpu.memory_space<hbm>>
    %dma_start3A_263 = tpu.memref_squeeze %dma_start3A_262 : memref<1x96x128xf32, #tpu.memory_space<hbm>> -> memref<96x128xf32, #tpu.memory_space<hbm>>
    %dma_start3A_264 = arith.constant 0 : i32
    %dma_start3A_265 = tpu.memref_slice %arg4[%arg0, %add3A_243, %dma_start3A_264] : memref<2x10112x128xf32, #tpu.memory_space<hbm>> -> memref<1x96x128xf32, #tpu.memory_space<hbm>>
    %dma_start3A_266 = tpu.memref_squeeze %dma_start3A_265 : memref<1x96x128xf32, #tpu.memory_space<hbm>> -> memref<96x128xf32, #tpu.memory_space<hbm>>
    %dma_start3A_267 = arith.constant 0 : i32
    %dma_start3A_268 = arith.constant 0 : i32
    %dma_start3A_269 = tpu.memref_slice %arg9[%dma_start3A_267, %dma_start3A_268] : memref<96x128xf32, #tpu.memory_space<vmem>> -> memref<96x128xf32, #tpu.memory_space<vmem>>
    tpu.enqueue_dma source(%dma_start3A_269 : memref<96x128xf32, #tpu.memory_space<vmem>>) target(%dma_start3A_266 : memref<96x128xf32, #tpu.memory_space<hbm>>) target_semaphore(%arg13 : memref<!tpu.dma_semaphore, #tpu.memory_space<semaphore_mem>>)
    %add3A_270 = arith.constant 576 : i32
    %add3A_271 = arith.addi %mul3A_0, %add3A_270 : i32
    %add3A_272 = arith.constant 384 : i32
    %add3A_273 = arith.addi %mul3A_0, %add3A_272 : i32
    %dma_wait3A_274 = arith.constant 0 : i32
    %dma_wait3A_275 = arith.constant 0 : i32
    %dma_wait3A_276 = tpu.memref_slice %arg8[%dma_wait3A_274, %dma_wait3A_275] : memref<96x128xf32, #tpu.memory_space<vmem>> -> memref<96x128xf32, #tpu.memory_space<vmem>>
    %dma_wait3A_277 = arith.constant 0 : i32
    %dma_wait3A_278 = tpu.memref_slice %arg4[%arg0, %add3A_273, %dma_wait3A_277] : memref<2x10112x128xf32, #tpu.memory_space<hbm>> -> memref<1x96x128xf32, #tpu.memory_space<hbm>>
    %dma_wait3A_279 = tpu.memref_squeeze %dma_wait3A_278 : memref<1x96x128xf32, #tpu.memory_space<hbm>> -> memref<96x128xf32, #tpu.memory_space<hbm>>
    %dma_wait3A_280 = arith.constant 0 : i32
    %dma_wait3A_281 = tpu.memref_slice %arg4[%arg0, %add3A_273, %dma_wait3A_280] : memref<2x10112x128xf32, #tpu.memory_space<hbm>> -> memref<1x96x128xf32, #tpu.memory_space<hbm>>
    %dma_wait3A_282 = tpu.memref_squeeze %dma_wait3A_281 : memref<1x96x128xf32, #tpu.memory_space<hbm>> -> memref<96x128xf32, #tpu.memory_space<hbm>>
    %dma_wait3A_283 = arith.constant 0 : i32
    %dma_wait3A_284 = arith.constant 0 : i32
    %dma_wait3A_285 = tpu.memref_slice %arg8[%dma_wait3A_283, %dma_wait3A_284] : memref<96x128xf32, #tpu.memory_space<vmem>> -> memref<96x128xf32, #tpu.memory_space<vmem>>
    tpu.wait_dma2 semaphore(%arg13 : memref<!tpu.dma_semaphore, #tpu.memory_space<semaphore_mem>>) src(%dma_wait3A_285 : memref<96x128xf32, #tpu.memory_space<vmem>>) dst(%dma_wait3A_282 : memref<96x128xf32, #tpu.memory_space<hbm>>)
    "tpu.region"() ({
      %run_scoped3A = tpu.sem_alloc : memref<!tpu.dma_semaphore, #tpu.memory_space<semaphore_mem>>
      %dma_start3A_326 = arith.constant 0 : i32
      %dma_start3A_327 = arith.constant 0 : i32
      %dma_start3A_328 = tpu.memref_slice %arg8[%dma_start3A_326, %dma_start3A_327] : memref<96x128xf32, #tpu.memory_space<vmem>> -> memref<56x128xf32, #tpu.memory_space<vmem>>
      %dma_start3A_329 = arith.constant 0 : i32
      %dma_start3A_330 = tpu.memref_slice %arg10[%add3A_271, %dma_start3A_329] : memref<10112x128xf32, #tpu.memory_space<vmem_shared>> -> memref<56x128xf32, #tpu.memory_space<vmem_shared>>
      %dma_start3A_331 = arith.constant 0 : i32
      %dma_start3A_332 = arith.constant 0 : i32
      %dma_start3A_333 = tpu.memref_slice %arg8[%dma_start3A_331, %dma_start3A_332] : memref<96x128xf32, #tpu.memory_space<vmem>> -> memref<56x128xf32, #tpu.memory_space<vmem>>
      %dma_start3A_334 = arith.constant 0 : i32
      %dma_start3A_335 = tpu.memref_slice %arg10[%add3A_271, %dma_start3A_334] : memref<10112x128xf32, #tpu.memory_space<vmem_shared>> -> memref<56x128xf32, #tpu.memory_space<vmem_shared>>
      tpu.enqueue_dma source(%dma_start3A_335 : memref<56x128xf32, #tpu.memory_space<vmem_shared>>) target(%dma_start3A_333 : memref<56x128xf32, #tpu.memory_space<vmem>>) target_semaphore(%run_scoped3A : memref<!tpu.dma_semaphore, #tpu.memory_space<semaphore_mem>>)
      %dma_wait3A_336 = arith.constant 0 : i32
      %dma_wait3A_337 = arith.constant 0 : i32
      %dma_wait3A_338 = tpu.memref_slice %arg8[%dma_wait3A_336, %dma_wait3A_337] : memref<96x128xf32, #tpu.memory_space<vmem>> -> memref<56x128xf32, #tpu.memory_space<vmem>>
      %dma_wait3A_339 = arith.constant 0 : i32
      %dma_wait3A_340 = tpu.memref_slice %arg10[%add3A_271, %dma_wait3A_339] : memref<10112x128xf32, #tpu.memory_space<vmem_shared>> -> memref<56x128xf32, #tpu.memory_space<vmem_shared>>
      %dma_wait3A_341 = arith.constant 0 : i32
      %dma_wait3A_342 = arith.constant 0 : i32
      %dma_wait3A_343 = tpu.memref_slice %arg8[%dma_wait3A_341, %dma_wait3A_342] : memref<96x128xf32, #tpu.memory_space<vmem>> -> memref<56x128xf32, #tpu.memory_space<vmem>>
      %dma_wait3A_344 = arith.constant 0 : i32
      %dma_wait3A_345 = tpu.memref_slice %arg10[%add3A_271, %dma_wait3A_344] : memref<10112x128xf32, #tpu.memory_space<vmem_shared>> -> memref<56x128xf32, #tpu.memory_space<vmem_shared>>
      tpu.wait_dma2 semaphore(%run_scoped3A : memref<!tpu.dma_semaphore, #tpu.memory_space<semaphore_mem>>) src(%dma_wait3A_345 : memref<56x128xf32, #tpu.memory_space<vmem_shared>>) dst(%dma_wait3A_343 : memref<56x128xf32, #tpu.memory_space<vmem>>)
      tpu.yield
    }) : () -> ()
    %dma_start3A_286 = arith.constant 0 : i32
    %dma_start3A_287 = arith.constant 0 : i32
    %dma_start3A_288 = tpu.memref_slice %arg8[%dma_start3A_286, %dma_start3A_287] : memref<96x128xf32, #tpu.memory_space<vmem>> -> memref<56x128xf32, #tpu.memory_space<vmem>>
    %dma_start3A_289 = arith.constant 0 : i32
    %dma_start3A_290 = tpu.memref_slice %arg4[%arg0, %add3A_271, %dma_start3A_289] : memref<2x10112x128xf32, #tpu.memory_space<hbm>> -> memref<1x56x128xf32, #tpu.memory_space<hbm>>
    %dma_start3A_291 = tpu.memref_squeeze %dma_start3A_290 : memref<1x56x128xf32, #tpu.memory_space<hbm>> -> memref<56x128xf32, #tpu.memory_space<hbm>>
    %dma_start3A_292 = arith.constant 0 : i32
    %dma_start3A_293 = tpu.memref_slice %arg4[%arg0, %add3A_271, %dma_start3A_292] : memref<2x10112x128xf32, #tpu.memory_space<hbm>> -> memref<1x56x128xf32, #tpu.memory_space<hbm>>
    %dma_start3A_294 = tpu.memref_squeeze %dma_start3A_293 : memref<1x56x128xf32, #tpu.memory_space<hbm>> -> memref<56x128xf32, #tpu.memory_space<hbm>>
    %dma_start3A_295 = arith.constant 0 : i32
    %dma_start3A_296 = arith.constant 0 : i32
    %dma_start3A_297 = tpu.memref_slice %arg8[%dma_start3A_295, %dma_start3A_296] : memref<96x128xf32, #tpu.memory_space<vmem>> -> memref<56x128xf32, #tpu.memory_space<vmem>>
    tpu.enqueue_dma source(%dma_start3A_297 : memref<56x128xf32, #tpu.memory_space<vmem>>) target(%dma_start3A_294 : memref<56x128xf32, #tpu.memory_space<hbm>>) target_semaphore(%arg13 : memref<!tpu.dma_semaphore, #tpu.memory_space<semaphore_mem>>)
    %add3A_298 = arith.constant 480 : i32
    %add3A_299 = arith.addi %mul3A_0, %add3A_298 : i32
    %dma_wait3A_300 = arith.constant 0 : i32
    %dma_wait3A_301 = arith.constant 0 : i32
    %dma_wait3A_302 = tpu.memref_slice %arg9[%dma_wait3A_300, %dma_wait3A_301] : memref<96x128xf32, #tpu.memory_space<vmem>> -> memref<96x128xf32, #tpu.memory_space<vmem>>
    %dma_wait3A_303 = arith.constant 0 : i32
    %dma_wait3A_304 = tpu.memref_slice %arg4[%arg0, %add3A_299, %dma_wait3A_303] : memref<2x10112x128xf32, #tpu.memory_space<hbm>> -> memref<1x96x128xf32, #tpu.memory_space<hbm>>
    %dma_wait3A_305 = tpu.memref_squeeze %dma_wait3A_304 : memref<1x96x128xf32, #tpu.memory_space<hbm>> -> memref<96x128xf32, #tpu.memory_space<hbm>>
    %dma_wait3A_306 = arith.constant 0 : i32
    %dma_wait3A_307 = tpu.memref_slice %arg4[%arg0, %add3A_299, %dma_wait3A_306] : memref<2x10112x128xf32, #tpu.memory_space<hbm>> -> memref<1x96x128xf32, #tpu.memory_space<hbm>>
    %dma_wait3A_308 = tpu.memref_squeeze %dma_wait3A_307 : memref<1x96x128xf32, #tpu.memory_space<hbm>> -> memref<96x128xf32, #tpu.memory_space<hbm>>
    %dma_wait3A_309 = arith.constant 0 : i32
    %dma_wait3A_310 = arith.constant 0 : i32
    %dma_wait3A_311 = tpu.memref_slice %arg9[%dma_wait3A_309, %dma_wait3A_310] : memref<96x128xf32, #tpu.memory_space<vmem>> -> memref<96x128xf32, #tpu.memory_space<vmem>>
    tpu.wait_dma2 semaphore(%arg13 : memref<!tpu.dma_semaphore, #tpu.memory_space<semaphore_mem>>) src(%dma_wait3A_311 : memref<96x128xf32, #tpu.memory_space<vmem>>) dst(%dma_wait3A_308 : memref<96x128xf32, #tpu.memory_space<hbm>>)
    %add3A_312 = arith.constant 576 : i32
    %add3A_313 = arith.addi %mul3A_0, %add3A_312 : i32
    %dma_wait3A_314 = arith.constant 0 : i32
    %dma_wait3A_315 = arith.constant 0 : i32
    %dma_wait3A_316 = tpu.memref_slice %arg8[%dma_wait3A_314, %dma_wait3A_315] : memref<96x128xf32, #tpu.memory_space<vmem>> -> memref<56x128xf32, #tpu.memory_space<vmem>>
    %dma_wait3A_317 = arith.constant 0 : i32
    %dma_wait3A_318 = tpu.memref_slice %arg4[%arg0, %add3A_313, %dma_wait3A_317] : memref<2x10112x128xf32, #tpu.memory_space<hbm>> -> memref<1x56x128xf32, #tpu.memory_space<hbm>>
    %dma_wait3A_319 = tpu.memref_squeeze %dma_wait3A_318 : memref<1x56x128xf32, #tpu.memory_space<hbm>> -> memref<56x128xf32, #tpu.memory_space<hbm>>
    %dma_wait3A_320 = arith.constant 0 : i32
    %dma_wait3A_321 = tpu.memref_slice %arg4[%arg0, %add3A_313, %dma_wait3A_320] : memref<2x10112x128xf32, #tpu.memory_space<hbm>> -> memref<1x56x128xf32, #tpu.memory_space<hbm>>
    %dma_wait3A_322 = tpu.memref_squeeze %dma_wait3A_321 : memref<1x56x128xf32, #tpu.memory_space<hbm>> -> memref<56x128xf32, #tpu.memory_space<hbm>>
    %dma_wait3A_323 = arith.constant 0 : i32
    %dma_wait3A_324 = arith.constant 0 : i32
    %dma_wait3A_325 = tpu.memref_slice %arg8[%dma_wait3A_323, %dma_wait3A_324] : memref<96x128xf32, #tpu.memory_space<vmem>> -> memref<56x128xf32, #tpu.memory_space<vmem>>
    tpu.wait_dma2 semaphore(%arg13 : memref<!tpu.dma_semaphore, #tpu.memory_space<semaphore_mem>>) src(%dma_wait3A_325 : memref<56x128xf32, #tpu.memory_space<vmem>>) dst(%dma_wait3A_322 : memref<56x128xf32, #tpu.memory_space<hbm>>)
    return
  }
}

module attributes {stable_mosaic.version = 14 : i64} {
  func.func @_prep_body(%arg0: i32, %arg1: memref<1000x128xf32, #tpu.memory_space<vmem>>, %arg2: memref<4x128x128xf32, #tpu.memory_space<vmem>>, %arg3: memref<4x128xf32, #tpu.memory_space<vmem>>, %arg4: memref<1x1x32000xi32, #tpu.memory_space<vmem>>, %arg5: memref<1x1x32000xi32, #tpu.memory_space<vmem>>, %arg6: memref<1x1x32000xi32, #tpu.memory_space<vmem>>, %arg7: memref<4x1000x128xf32, #tpu.memory_space<vmem>>, %arg8: memref<1x1x32000xi32, #tpu.memory_space<vmem>>) attributes {dimension_semantics = [#tpu.dimension_semantics<arbitrary>], iteration_bounds = array<i64: 10>, scalar_prefetch = 0 : i64, scratch_operands = 0 : i64, tpu.core_type = #tpu.core_type<tc>, window_params = [{transform_indices = @transform_0, window_bounds = array<i64: 1000, 128>}, {pipeline_mode = #tpu.pipeline_mode<synchronous>, transform_indices = @transform_1, window_bounds = array<i64: 4, 128, 128>}, {pipeline_mode = #tpu.pipeline_mode<synchronous>, transform_indices = @transform_2, window_bounds = array<i64: 4, 128>}, {transform_indices = @transform_3, window_bounds = array<i64: 1, 1, 32000>}, {transform_indices = @transform_4, window_bounds = array<i64: 1, 1, 32000>}, {transform_indices = @transform_5, window_bounds = array<i64: 1, 1, 32000>}, {transform_indices = @transform_6, window_bounds = array<i64: 4, 1000, 128>}, {transform_indices = @transform_7, window_bounds = array<i64: 1, 1, 32000>}]} {
    %get3A = arith.constant 0 : index
    %get3A_0 = arith.constant 0 : index
    %get3A_1 = vector.load %arg1[%get3A, %get3A_0] : memref<1000x128xf32, #tpu.memory_space<vmem>>, vector<1000x128xf32>
    %get3A_2 = arith.constant 0 : index
    %get3A_3 = arith.constant 0 : index
    %get3A_4 = arith.constant 0 : index
    %get3A_5 = vector.load %arg2[%get3A_2, %get3A_3, %get3A_4] : memref<4x128x128xf32, #tpu.memory_space<vmem>>, vector<1x128x128xf32>
    %get3A_6 = vector.shape_cast %get3A_5 : vector<1x128x128xf32> to vector<128x128xf32>
    %dot_general3A = arith.constant dense<0.000000e+00> : vector<1000x128xf32>
    %dot_general3A_7 = tpu.matmul %get3A_1, %get3A_6, %dot_general3A {dimension_numbers = #tpu.dot_dimension_numbers<[1], [1], [0], [0], [0, 0, 1, 0], [], []>, transpose_lhs_hint = false} : vector<1000x128xf32>, vector<128x128xf32>, vector<1000x128xf32> -> vector<1000x128xf32>
    %get3A_8 = arith.constant 0 : index
    %get3A_9 = arith.constant 0 : index
    %get3A_10 = vector.load %arg3[%get3A_8, %get3A_9] : memref<4x128xf32, #tpu.memory_space<vmem>>, vector<1x128xf32>
    %get3A_11 = vector.shape_cast %get3A_10 : vector<1x128xf32> to vector<128xf32>
    %broadcast_in_dim3A = vector.shape_cast %get3A_11 : vector<128xf32> to vector<1x128xf32>
    %add3A = vector.broadcast %broadcast_in_dim3A : vector<1x128xf32> to vector<1000x128xf32>
    %add3A_12 = arith.addf %dot_general3A_7, %add3A : vector<1000x128xf32>
    %swap3A = arith.constant 0 : index
    %swap3A_13 = arith.constant 0 : index
    %swap3A_14 = arith.constant 0 : index
    %swap3A_15 = vector.load %arg7[%swap3A, %swap3A_13, %swap3A_14] : memref<4x1000x128xf32, #tpu.memory_space<vmem>>, vector<1x1000x128xf32>
    %swap3A_16 = vector.shape_cast %swap3A_15 : vector<1x1000x128xf32> to vector<1000x128xf32>
    %swap3A_17 = vector.shape_cast %add3A_12 : vector<1000x128xf32> to vector<1x1000x128xf32>
    tpu.vector_store %arg7[%swap3A, %swap3A_13, %swap3A_14], %swap3A_17 {strides = array<i32>} : memref<4x1000x128xf32, #tpu.memory_space<vmem>>, vector<1x1000x128xf32>,
    %get3A_18 = arith.constant 1 : index
    %get3A_19 = arith.constant 0 : index
    %get3A_20 = arith.constant 0 : index
    %get3A_21 = vector.load %arg2[%get3A_18, %get3A_19, %get3A_20] : memref<4x128x128xf32, #tpu.memory_space<vmem>>, vector<1x128x128xf32>
    %get3A_22 = vector.shape_cast %get3A_21 : vector<1x128x128xf32> to vector<128x128xf32>
    %dot_general3A_23 = arith.constant dense<0.000000e+00> : vector<1000x128xf32>
    %dot_general3A_24 = tpu.matmul %get3A_1, %get3A_22, %dot_general3A_23 {dimension_numbers = #tpu.dot_dimension_numbers<[1], [1], [0], [0], [0, 0, 1, 0], [], []>, transpose_lhs_hint = false} : vector<1000x128xf32>, vector<128x128xf32>, vector<1000x128xf32> -> vector<1000x128xf32>
    %get3A_25 = arith.constant 1 : index
    %get3A_26 = arith.constant 0 : index
    %get3A_27 = vector.load %arg3[%get3A_25, %get3A_26] : memref<4x128xf32, #tpu.memory_space<vmem>>, vector<1x128xf32>
    %get3A_28 = vector.shape_cast %get3A_27 : vector<1x128xf32> to vector<128xf32>
    %broadcast_in_dim3A_29 = vector.shape_cast %get3A_28 : vector<128xf32> to vector<1x128xf32>
    %add3A_30 = vector.broadcast %broadcast_in_dim3A_29 : vector<1x128xf32> to vector<1000x128xf32>
    %add3A_31 = arith.addf %dot_general3A_24, %add3A_30 : vector<1000x128xf32>
    %swap3A_32 = arith.constant 1 : index
    %swap3A_33 = arith.constant 0 : index
    %swap3A_34 = arith.constant 0 : index
    %swap3A_35 = vector.load %arg7[%swap3A_32, %swap3A_33, %swap3A_34] : memref<4x1000x128xf32, #tpu.memory_space<vmem>>, vector<1x1000x128xf32>
    %swap3A_36 = vector.shape_cast %swap3A_35 : vector<1x1000x128xf32> to vector<1000x128xf32>
    %swap3A_37 = vector.shape_cast %add3A_31 : vector<1000x128xf32> to vector<1x1000x128xf32>
    tpu.vector_store %arg7[%swap3A_32, %swap3A_33, %swap3A_34], %swap3A_37 {strides = array<i32>} : memref<4x1000x128xf32, #tpu.memory_space<vmem>>, vector<1x1000x128xf32>,
    %get3A_38 = arith.constant 2 : index
    %get3A_39 = arith.constant 0 : index
    %get3A_40 = arith.constant 0 : index
    %get3A_41 = vector.load %arg2[%get3A_38, %get3A_39, %get3A_40] : memref<4x128x128xf32, #tpu.memory_space<vmem>>, vector<1x128x128xf32>
    %get3A_42 = vector.shape_cast %get3A_41 : vector<1x128x128xf32> to vector<128x128xf32>
    %dot_general3A_43 = arith.constant dense<0.000000e+00> : vector<1000x128xf32>
    %dot_general3A_44 = tpu.matmul %get3A_1, %get3A_42, %dot_general3A_43 {dimension_numbers = #tpu.dot_dimension_numbers<[1], [1], [0], [0], [0, 0, 1, 0], [], []>, transpose_lhs_hint = false} : vector<1000x128xf32>, vector<128x128xf32>, vector<1000x128xf32> -> vector<1000x128xf32>
    %get3A_45 = arith.constant 2 : index
    %get3A_46 = arith.constant 0 : index
    %get3A_47 = vector.load %arg3[%get3A_45, %get3A_46] : memref<4x128xf32, #tpu.memory_space<vmem>>, vector<1x128xf32>
    %get3A_48 = vector.shape_cast %get3A_47 : vector<1x128xf32> to vector<128xf32>
    %broadcast_in_dim3A_49 = vector.shape_cast %get3A_48 : vector<128xf32> to vector<1x128xf32>
    %add3A_50 = vector.broadcast %broadcast_in_dim3A_49 : vector<1x128xf32> to vector<1000x128xf32>
    %add3A_51 = arith.addf %dot_general3A_44, %add3A_50 : vector<1000x128xf32>
    %swap3A_52 = arith.constant 2 : index
    %swap3A_53 = arith.constant 0 : index
    %swap3A_54 = arith.constant 0 : index
    %swap3A_55 = vector.load %arg7[%swap3A_52, %swap3A_53, %swap3A_54] : memref<4x1000x128xf32, #tpu.memory_space<vmem>>, vector<1x1000x128xf32>
    %swap3A_56 = vector.shape_cast %swap3A_55 : vector<1x1000x128xf32> to vector<1000x128xf32>
    %swap3A_57 = vector.shape_cast %add3A_51 : vector<1000x128xf32> to vector<1x1000x128xf32>
    tpu.vector_store %arg7[%swap3A_52, %swap3A_53, %swap3A_54], %swap3A_57 {strides = array<i32>} : memref<4x1000x128xf32, #tpu.memory_space<vmem>>, vector<1x1000x128xf32>,
    %get3A_58 = arith.constant 3 : index
    %get3A_59 = arith.constant 0 : index
    %get3A_60 = arith.constant 0 : index
    %get3A_61 = vector.load %arg2[%get3A_58, %get3A_59, %get3A_60] : memref<4x128x128xf32, #tpu.memory_space<vmem>>, vector<1x128x128xf32>
    %get3A_62 = vector.shape_cast %get3A_61 : vector<1x128x128xf32> to vector<128x128xf32>
    %dot_general3A_63 = arith.constant dense<0.000000e+00> : vector<1000x128xf32>
    %dot_general3A_64 = tpu.matmul %get3A_1, %get3A_62, %dot_general3A_63 {dimension_numbers = #tpu.dot_dimension_numbers<[1], [1], [0], [0], [0, 0, 1, 0], [], []>, transpose_lhs_hint = false} : vector<1000x128xf32>, vector<128x128xf32>, vector<1000x128xf32> -> vector<1000x128xf32>
    %get3A_65 = arith.constant 3 : index
    %get3A_66 = arith.constant 0 : index
    %get3A_67 = vector.load %arg3[%get3A_65, %get3A_66] : memref<4x128xf32, #tpu.memory_space<vmem>>, vector<1x128xf32>
    %get3A_68 = vector.shape_cast %get3A_67 : vector<1x128xf32> to vector<128xf32>
    %broadcast_in_dim3A_69 = vector.shape_cast %get3A_68 : vector<128xf32> to vector<1x128xf32>
    %add3A_70 = vector.broadcast %broadcast_in_dim3A_69 : vector<1x128xf32> to vector<1000x128xf32>
    %add3A_71 = arith.addf %dot_general3A_64, %add3A_70 : vector<1000x128xf32>
    %swap3A_72 = arith.constant 3 : index
    %swap3A_73 = arith.constant 0 : index
    %swap3A_74 = arith.constant 0 : index
    %swap3A_75 = vector.load %arg7[%swap3A_72, %swap3A_73, %swap3A_74] : memref<4x1000x128xf32, #tpu.memory_space<vmem>>, vector<1x1000x128xf32>
    %swap3A_76 = vector.shape_cast %swap3A_75 : vector<1x1000x128xf32> to vector<1000x128xf32>
    %swap3A_77 = vector.shape_cast %add3A_71 : vector<1000x128xf32> to vector<1x1000x128xf32>
    tpu.vector_store %arg7[%swap3A_72, %swap3A_73, %swap3A_74], %swap3A_77 {strides = array<i32>} : memref<4x1000x128xf32, #tpu.memory_space<vmem>>, vector<1x1000x128xf32>,
    %get3A_78 = arith.constant 0 : index
    %get3A_79 = arith.constant 0 : index
    %get3A_80 = arith.constant 0 : index
    %get3A_81 = vector.load %arg5[%get3A_78, %get3A_79, %get3A_80] : memref<1x1x32000xi32, #tpu.memory_space<vmem>>, vector<1x1x32000xi32>
    %mul3A = arith.constant 10000 : i32
    %mul3A_82 = vector.broadcast %mul3A : i32 to vector<1x1x32000xi32>
    %mul3A_83 = arith.muli %get3A_81, %mul3A_82 : vector<1x1x32000xi32>
    %get3A_84 = arith.constant 0 : index
    %get3A_85 = arith.constant 0 : index
    %get3A_86 = arith.constant 0 : index
    %get3A_87 = vector.load %arg4[%get3A_84, %get3A_85, %get3A_86] : memref<1x1x32000xi32, #tpu.memory_space<vmem>>, vector<1x1x32000xi32>
    %add3A_88 = arith.addi %mul3A_83, %get3A_87 : vector<1x1x32000xi32>
    %get3A_89 = arith.constant 0 : index
    %get3A_90 = arith.constant 0 : index
    %get3A_91 = arith.constant 0 : index
    %get3A_92 = vector.load %arg6[%get3A_89, %get3A_90, %get3A_91] : memref<1x1x32000xi32, #tpu.memory_space<vmem>>, vector<1x1x32000xi32>
    %shift_left3A = arith.constant 16 : i32
    %shift_left3A_93 = vector.broadcast %shift_left3A : i32 to vector<1x1x32000xi32>
    %shift_left3A_94 = arith.shli %get3A_92, %shift_left3A_93 : vector<1x1x32000xi32>
    %or3A = arith.ori %add3A_88, %shift_left3A_94 : vector<1x1x32000xi32>
    %swap3A_95 = arith.constant 0 : index
    %swap3A_96 = arith.constant 0 : index
    %swap3A_97 = arith.constant 0 : index
    %swap3A_98 = vector.load %arg8[%swap3A_95, %swap3A_96, %swap3A_97] : memref<1x1x32000xi32, #tpu.memory_space<vmem>>, vector<1x1x32000xi32>
    tpu.vector_store %arg8[%swap3A_95, %swap3A_96, %swap3A_97], %or3A {strides = array<i32>} : memref<1x1x32000xi32, #tpu.memory_space<vmem>>, vector<1x1x32000xi32>,
    return
  }
  func.func @transform_0(%arg0: i32) -> (i32, i32) {
    %c0_i32 = arith.constant 0 : i32
    %c0_i32_0 = arith.constant 0 : i32
    return %arg0, %c0_i32 : i32, i32
  }
  func.func @transform_1(%arg0: i32) -> (i32, i32, i32) {
    %c0_i32 = arith.constant 0 : i32
    %c0_i32_0 = arith.constant 0 : i32
    %c0_i32_1 = arith.constant 0 : i32
    %c0_i32_2 = arith.constant 0 : i32
    return %c0_i32, %c0_i32_0, %c0_i32_1 : i32, i32, i32
  }
  func.func @transform_2(%arg0: i32) -> (i32, i32) {
    %c0_i32 = arith.constant 0 : i32
    %c0_i32_0 = arith.constant 0 : i32
    %c0_i32_1 = arith.constant 0 : i32
    return %c0_i32, %c0_i32_0 : i32, i32
  }
  func.func @transform_3(%arg0: i32) -> (i32, i32, i32) {
    %c0_i32 = arith.constant 0 : i32
    %c0_i32_0 = arith.constant 0 : i32
    %c0_i32_1 = arith.constant 0 : i32
    return %arg0, %c0_i32, %c0_i32_0 : i32, i32, i32
  }
  func.func @transform_4(%arg0: i32) -> (i32, i32, i32) {
    %c0_i32 = arith.constant 0 : i32
    %c0_i32_0 = arith.constant 0 : i32
    %c0_i32_1 = arith.constant 0 : i32
    return %arg0, %c0_i32, %c0_i32_0 : i32, i32, i32
  }
  func.func @transform_5(%arg0: i32) -> (i32, i32, i32) {
    %c0_i32 = arith.constant 0 : i32
    %c0_i32_0 = arith.constant 0 : i32
    %c0_i32_1 = arith.constant 0 : i32
    return %arg0, %c0_i32, %c0_i32_0 : i32, i32, i32
  }
  func.func @transform_6(%arg0: i32) -> (i32, i32, i32) {
    %c0_i32 = arith.constant 0 : i32
    %c0_i32_0 = arith.constant 0 : i32
    %c0_i32_1 = arith.constant 0 : i32
    return %c0_i32, %arg0, %c0_i32_0 : i32, i32, i32
  }
  func.func @transform_7(%arg0: i32) -> (i32, i32, i32) {
    %c0_i32 = arith.constant 0 : i32
    %c0_i32_0 = arith.constant 0 : i32
    %c0_i32_1 = arith.constant 0 : i32
    return %arg0, %c0_i32, %c0_i32_0 : i32, i32, i32
  }
}

module attributes {stable_mosaic.version = 14 : i64} {
  func.func @_combine_body(%arg0: i32, %arg1: memref<2x1000x128xf32, #tpu.memory_space<vmem>>, %arg2: memref<1000x128xf32, #tpu.memory_space<vmem>>) attributes {dimension_semantics = [#tpu.dimension_semantics<arbitrary>], iteration_bounds = array<i64: 10>, scalar_prefetch = 0 : i64, scratch_operands = 0 : i64, tpu.core_type = #tpu.core_type<tc>, window_params = [{transform_indices = @transform_0, window_bounds = array<i64: 2, 1000, 128>}, {transform_indices = @transform_1, window_bounds = array<i64: 1000, 128>}]} {
    %get3A = arith.constant 0 : index
    %get3A_0 = arith.constant 0 : index
    %get3A_1 = arith.constant 0 : index
    %get3A_2 = vector.load %arg1[%get3A, %get3A_0, %get3A_1] : memref<2x1000x128xf32, #tpu.memory_space<vmem>>, vector<1x1000x128xf32>
    %get3A_3 = vector.shape_cast %get3A_2 : vector<1x1000x128xf32> to vector<1000x128xf32>
    %get3A_4 = arith.constant 1 : index
    %get3A_5 = arith.constant 0 : index
    %get3A_6 = arith.constant 0 : index
    %get3A_7 = vector.load %arg1[%get3A_4, %get3A_5, %get3A_6] : memref<2x1000x128xf32, #tpu.memory_space<vmem>>, vector<1x1000x128xf32>
    %get3A_8 = vector.shape_cast %get3A_7 : vector<1x1000x128xf32> to vector<1000x128xf32>
    %add3A = arith.addf %get3A_3, %get3A_8 : vector<1000x128xf32>
    %swap3A = arith.constant 0 : index
    %swap3A_9 = arith.constant 0 : index
    %swap3A_10 = vector.load %arg2[%swap3A, %swap3A_9] : memref<1000x128xf32, #tpu.memory_space<vmem>>, vector<1000x128xf32>
    tpu.vector_store %arg2[%swap3A, %swap3A_9], %add3A {strides = array<i32>} : memref<1000x128xf32, #tpu.memory_space<vmem>>, vector<1000x128xf32>,
    return
  }
  func.func @transform_0(%arg0: i32) -> (i32, i32, i32) {
    %c0_i32 = arith.constant 0 : i32
    %c0_i32_0 = arith.constant 0 : i32
    %c0_i32_1 = arith.constant 0 : i32
    return %c0_i32, %arg0, %c0_i32_0 : i32, i32, i32
  }
  func.func @transform_1(%arg0: i32) -> (i32, i32) {
    %c0_i32 = arith.constant 0 : i32
    %c0_i32_0 = arith.constant 0 : i32
    return %arg0, %c0_i32 : i32, i32
  }
}

</mosaic_0001>

<sc_bundles>
// kernel: kernel.5.cloned.1.call-start
scs
__scs_entry_jumppad:
0x0: {  	(pc) =	sbr.rel $0x88, $3  }
0x1: {  	(tag) =	ssettag $0x0;
	lr =	simm.s32 $0x1  }
0x2: {  	[smem:$0x3F9C] =	sst lr;
	_ =	strace $0xD0000000  }
0x3: {  	_ = 	snop  }
0x4: {  	_ = 	snop  }
0x5: {  	_ = 	snop  }
0x6: {  	_ = 	snop  }
0x7: {  	_ = 	snop  }
__scs_overlays_trampoline_lowered:
0x8: {  	[smem:$0x3FAB] =	sst s0  }
0x9: {  	[smem:$0x3FAC] =	sst s1  }
0xa: {  	[smem:$0x3FAD] =	sst s2  }
0xb: {  	[smem:$0x3FAE] =	sst s3  }
0xc: {  	[smem:$0x3FAF] =	sst s4  }
0xd: {  	[smem:$0x3FB0] =	sst s5  }
0xe: {  	[smem:$0x3FB1] =	sst s6  }
0xf: {  	[smem:$0x3FB2] =	sst s7  }
0x10: {  	[smem:$0x3FB3] =	sst s8  }
0x11: {  	[smem:$0x3FB4] =	sst s9;
	s0 =	simm.s32 @!p0 $0x0  }
0x12: {  	s1 =	sld [smem:$0x3F9A];
	s0 =	simm.s32 @p0 $0x1  }
0x13: {  	[smem:$0x3FB5] =	sst s0;
	s0 =	simm.s32 @!p1 $0x0  }
0x14: {  	s2 =	sld [smem:$0x3F99];
	s0 =	simm.s32 @p1 $0x1  }
0x15: {  	[smem:$0x3FB6] =	sst s0;
	s0 =	simm.s32 @!p2 $0x0  }
0x16: {  	s3 =	sld [smem:$0x3FDB];
	s0 =	simm.s32 @p2 $0x1  }
0x17: {  	s4 =	simm.s32 $0x1BF5;
	[smem:$0x3FB8] =	sst s0  }
0x18: {  	s0 =	sld [smem:$0x3F9B];
	_ =	swait.ge [sflag:s4], $0x0  }
0x19: {  	s7 =	sld [smem:$0x3F9C]  }
0x1a: {  	s8 =	sadd.s32 $0xFFFFE003, lr  }
0x1b: {  	s9 =	sadd.s32 $0xFFFFFEF7, lr;
	s5 =	simm.s32 $0xFFFFFFFF;
	p2 =	slt.u32 s8, $0xFFFFF086  }
0x1c: {  	p1 =	slt.u32 s9, $0xF7A;
	s5 =	simm.s32 @!p2 $0x0  }
0x1d: {  	s5 =	simm.s32 @p1 $0x1;
	p0 =	seq.s32 s7, s2  }
0x1e: {  	s7 =	smul.u32 @!p0 $0xF7A, s2;
	p2 =	seq.s32 @!p0 s5, $0x0  }
0x1f: {  	s9 =	smul.u32 $0xF7A, s1;
	s8 =	simm.s32 @!p0 $0x1BF5;
	p2 =	por !p2, p0  }
0x20: {  	[sflag:s8] =	ssyncset.s32 @!p0 $0xFFFFF086;
	s6 =	sadd.s32 @!p0 s3, s7;
	s7 =	simm.s32 @!p0 $0x108  }
0x21: {  	s3 =	sadd.s32 s3, s9;
	s6 =	sadd.s32 @!p0 $0x88, s6;
	s7 =	simm.s32 @p2 $0x1082  }
0x22: {  	[simem:s7], [sflag:s8] =	dma.local @!p0 [hbm:s6], $0xF7A  }
0x23: {  	s9 =	sor.u32 $0xD0000000, s2;
	s6 =	simm.s32 $0x108;
	_ =	swait.ge @!p0 [sflag:s8], $0x0  }
0x24: {  	s3 =	sadd.s32 $0x88, s3;
	s6 =	simm.s32 @!p1 $0x1082;
	[sflag:s4] =	ssyncset.s32 $0xFFFFF086  }
0x25: {  	[simem:s6], [sflag:s4] =	dma.local [hbm:s3], $0xF7A  }
0x26: {  	[smem:$0x3F9C] =	sst s1;
	(tag) =	ssettag s2;
	_ =	strace s9  }
0x27: {  	s1 =	sld [smem:$0x3FAC]  }
0x28: {  	s2 =	sld [smem:$0x3FAD]  }
0x29: {  	s4 =	sld [smem:$0x3FAF]  }
0x2a: {  	p0 =	seq.s32 s5, $0x0;
	s5 =	sld [smem:$0x3FB0]  }
0x2b: {  	s6 =	sld [smem:$0x3FB1]  }
0x2c: {  	s7 =	sld [smem:$0x3FB2]  }
0x2d: {  	s3 =	simm.s32 $0x108;
	s8 =	sld [smem:$0x3FB3]  }
0x2e: {  	s3 =	simm.s32 @!p0 $0x1082;
	s9 =	sld [smem:$0x3FB4]  }
0x2f: {  	lr =	sadd.s32 s0, s3;
	s0 =	sld [smem:$0x3FAB]  }
0x30: {  	s3 =	sld [smem:$0x3FAE]  }
0x31: {  	[smem:$0x3FB7] =	sst s10  }
0x32: {  	s10 =	sld [smem:$0x3FB5];
	_ =	sdelay $0x3  }
0x33: {  	p0 =	seq.s32 s10, $0x1;
	s10 =	sld [smem:$0x3FB7];
	_ =	sdelay $0x3  }
0x34: {  	[smem:$0x3FB7] =	sst s10  }
0x35: {  	s10 =	sld [smem:$0x3FB6];
	_ =	sdelay $0x3  }
0x36: {  	p1 =	seq.s32 s10, $0x1;
	s10 =	sld [smem:$0x3FB7];
	_ =	sdelay $0x3  }
0x37: {  	[smem:$0x3FB7] =	sst s10  }
0x38: {  	s10 =	sld [smem:$0x3FB8]  }
0x39: {  	_ = 	snop;
	(pc) =	sbr.ind lr, $3  }
0x3a: {  	_ = 	snop  }
0x3b: {  	_ = 	snop  }
0x3c: {  	p2 =	seq.s32 s10, $0x1;
	s10 =	sld [smem:$0x3FB7]  }
0x3d: {  	_ =	shalt  }
0x3e: {  	_ =	shalt  }
0x3f: {  	_ =	shalt  }
0x40: {  	_ =	shalt  }
0x41: {  	_ =	shalt  }
0x42: {  	_ =	shalt  }
0x43: {  	_ =	shalt  }
0x44: {  	_ =	shalt  }
0x45: {  	_ =	shalt  }
0x46: {  	_ =	shalt  }
0x47: {  	_ =	shalt  }
0x48: {  	_ =	shalt  }
0x49: {  	_ =	shalt  }
0x4a: {  	_ =	shalt  }
0x4b: {  	_ =	shalt  }
0x4c: {  	_ =	shalt  }
0x4d: {  	_ =	shalt  }
0x4e: {  	_ =	shalt  }
0x4f: {  	_ =	shalt  }
0x50: {  	_ =	shalt  }
0x51: {  	_ =	shalt  }
0x52: {  	_ =	shalt  }
0x53: {  	_ =	shalt  }
0x54: {  	_ =	shalt  }
0x55: {  	_ =	shalt  }
0x56: {  	_ =	shalt  }
0x57: {  	_ =	shalt  }
0x58: {  	_ =	shalt  }
0x59: {  	_ =	shalt  }
0x5a: {  	_ =	shalt  }
0x5b: {  	_ =	shalt  }
0x5c: {  	_ =	shalt  }
0x5d: {  	_ =	shalt  }
0x5e: {  	_ =	shalt  }
0x5f: {  	_ =	shalt  }
0x60: {  	_ =	shalt  }
0x61: {  	_ =	shalt  }
0x62: {  	_ =	shalt  }
0x63: {  	_ =	shalt  }
0x64: {  	_ =	shalt  }
0x65: {  	_ =	shalt  }
0x66: {  	_ =	shalt  }
0x67: {  	_ =	shalt  }
0x68: {  	_ =	shalt  }
0x69: {  	_ =	shalt  }
0x6a: {  	_ =	shalt  }
0x6b: {  	_ =	shalt  }
0x6c: {  	_ =	shalt  }
0x6d: {  	_ =	shalt  }
0x6e: {  	_ =	shalt  }
0x6f: {  	_ =	shalt  }
0x70: {  	_ =	shalt  }
0x71: {  	_ =	shalt  }
0x72: {  	_ =	shalt  }
0x73: {  	_ =	shalt  }
0x74: {  	_ =	shalt  }
0x75: {  	_ =	shalt  }
0x76: {  	_ =	shalt  }
0x77: {  	_ =	shalt  }
0x78: {  	_ =	shalt  }
0x79: {  	_ =	shalt  }
0x7a: {  	_ =	shalt  }
0x7b: {  	_ =	shalt  }
0x7c: {  	_ =	shalt  }
0x7d: {  	_ =	shalt  }
0x7e: {  	_ =	shalt  }
0x7f: {  	_ =	shalt  }
0x80: {  	_ =	shalt  }
0x81: {  	_ =	shalt  }
0x82: {  	_ =	shalt  }
0x83: {  	_ =	shalt  }
0x84: {  	_ =	shalt  }
0x85: {  	_ =	shalt  }
0x86: {  	_ =	shalt  }
0x87: {  	_ =	shalt  }
.Lfunc_end0:
.L_simem_size_0:
called_computation_lowered:
.L_overlay_start_0:
0x88: {  	s2 =	sld [smem:$0x3FD9]  }
0x89: {  	s3 =	sld [smem:$0x3FFE];
	_ =	sdelay $0x1  }
0x8a: {  	s1 =	srdreg.scid  }
0x8b: {  	s0 =	sand.u32 $0x1, s1  }
0x8c: {  	s17 =	sshll.u32 s0, $0xA;
	s2 =	sadd.s32 s3, s2  }
0x8d: {  	s2 =	sadd.s32 s2, s17  }
0x8e: {  	[smem:$0x3FC3] =	sst s2  }
0x8f: {  	_ = 	snop  }
0x90: {  	s2 =	sld [smem:$0x3FD0];
	(tm) =	ssettm $0x1  }
0x91: {  	s18 =	sld [smem:$0x3FFB];
	_ =	sdelay $0x3  }
0x92: {  	_ =	strace s18  }
0x93: {  	s3 =	sld [smem:$0x3FFC];
	_ =	sdelay $0x3  }
0x94: {  	_ =	strace s3  }
0x95: {  	s3 =	sld [smem:$0x3FFD];
	_ =	sdelay $0x3  }
0x96: {  	_ =	strace s3  }
0x97: {  	_ =	strace $0x8FFFFFFF  }
0x98: {  	s19 =	sld [smem:$0x3FDB];
	_ =	sdelay $0x1  }
0x99: {  	s4 =	simm.s32 $_scs_section_size  }
0x9a: {  	s5 =	simm.s32 $_size__tile_overlayer_lowered;
	s6 =	simm.s32 $_tile_overlayer_lowered  }
0x9b: {  	s22 =	simm.s32 $0x1BFF;
	s21 =	sshll.u32 s6, $0x1;
	s3 =	sadd.s32 s4, s19  }
0x9c: {  	s7 =	simm.s32 $0x0;
	s20 =	sshll.u32 s5, $0x1;
	s5 =	sadd.s32 s21, s3  }
0x9d: {  	[timem:s7], [sflag:s22] =	dma.local [hbm:s5], s20  }
0x9e: {  	_ =	swait.ge [sflag:s22], s20  }
0x9f: {  	s4 =	ssub.s32 $0x0, s20;
	[sflag:s22] =	ssyncset.done $0x0  }
0xa0: {  	[sflag:s22] =	ssyncadd.s32 s4;
	_ =	sdelay $0x1  }
0xa1: {  	s23 =	simm.s32 $0x1B8B  }
0xa2: {  	_ =	swait.ge [sflag:s23], $0x1  }
0xa3: {  	[sflag:s23] =	ssyncset.done $0x0  }
0xa4: {  	s25 =	simm.s32 $0x1B8E;
	s24 =	sld [smem:$0x3FFE];
	[sflag:s23] =	ssyncadd.s32 $0xFFFFFFFF  }
0xa5: {  	s26 =	simm.s32 $execute0_lowered;
	[smem:$0x3FD2] =	sst s25  }
0xa6: {  	s5 =	sshll.u32 s26, $0x1;
	_ =	strace $0x80000046;
	[dreg:$0x1] =	wrdreg $0xFFFFFFFF  }
0xa7: {  	s28 =	simm.s32 $_size_execute0_lowered;
	s3 =	sadd.s32 s3, s5;
	[dreg:$0x0] =	wrdreg $0x0  }
0xa8: {  	s5 =	sshll.u32 s28, $0x1;
	[dreg:$0x2] =	wrdreg s3  }
0xa9: {  	[dreg:$0x3] =	wrdreg s5  }
0xaa: {  	[dreg:$0x4] =	wrdreg $0xC0  }
0xab: {  	_ =	task [dreg:s7], $0x5FFFF  }
0xac: {  	[dreg:$0x1] =	wrdreg $0xFFFFFFFF  }
0xad: {  	[dreg:$0x0] =	wrdreg $0x60  }
0xae: {  	[dreg:$0x2] =	wrdreg s24  }
0xaf: {  	[dreg:$0x3] =	wrdreg s2  }
0xb0: {  	[dreg:$0x4] =	wrdreg $0x92000  }
0xb1: {  	[dreg:$0x5] =	wrdreg $0x9  }
0xb2: {  	_ =	task.clear_ibuf [dreg:s7], $0x6FFFF;
	_ =	strace $0x90000046  }
0xb3: {  	s29 =	simm.s32 $0x9;
	_ =	strace $0x80000048  }
0xb4: {  	_ =	swait.ge [sflag:s29], $0x1  }
0xb5: {  	[sflag:s29] =	ssyncadd.s32 $0xFFFFFFFF  }
0xb6: {  	_ =	strace $0x90000048  }
0xb7: {  	_ =	sfence  }
0xb8: {  	s30 =	sld [smem:$0x0];
	_ =	sdelay $0x2  }
0xb9: {  	s31 =	sshll.u32 s1, $0xD;
	s1 =	sshrl.u32 s1, $0x2  }
0xba: {  	s3 =	sand.u32 $0x4000, s31;
	s1 =	sadd.s32 s1, s30  }
0xbb: {  	s0 =	sor.u32 s3, s0;
	s1 =	sshll.u32 s1, $0x11  }
0xbc: {  	s0 =	sor.u32 s1, s0  }
0xbd: {  	s0 =	sadd.s32 $0x8F2B, s0  }
0xbe: {  	[sflag:s0] =	ssyncadd.remote.s32 $0x1  }
0xbf: {  	_ =	sfence.sel $0xFFFF  }
0xc0: {  	[dreg:$0x0] =	wrdreg $0xFFFFFFFF;
	(pc) =	sbr.abs _section_cstart, $3  }
0xc1: {  	[dreg:$0x1] =	wrdreg $0xFFFFFFFF  }
0xc2: {  	_ =	task.clear_ibuf [dreg:s7], $0x2FFFF;
	_ =	strace $0x9FFFFFFF  }
0xc3: {  	(tm) =	ssettm $0x7FFFFFFF  }
tec
execute0_lowered:
.L_overlay_start_1:
0x0: {  	(tag) =	ssettag $0x1  }
0x1: {  	s0 =	rddreg [dreg:$0x0]  }
0x2: {  	s1 =	rddreg [dreg:$0x1]  }
0x3: {  	s2 =	rddreg [dreg:$0x2];
	s3 =	simm.s32 $0x0;
	s11 =	stileid.u32  }
0x4: {  	s5 =	srdreg.scid;
	s28 =	simm.s32 $0x6200;
	s6 =	smul.u32 $0x1E20, s11  }
0x5: {  	s29 =	simm.s32 $0x1;
	s30 =	simm.s32 $0x3100;
	s7 =	smul.u32 $0x600, s11  }
0x6: {  	s31 =	simm.s32 $0x2;
	[smem:$0x7FF] =	sst s3;
	s9 =	smul.u32 $0x4F000, s11  }
0x7: {  	s4 =	sadd.s32 $0xC00, s0;
	s5 =	sand.u32 $0x1, s5;
	s12 =	smul.u32 $0x13C00, s11  }
0x8: {  	s0 =	sadd.s32 $0x9D000, s0;
	_ =	strace $0x80000047;
	s8 =	ssub.s32 $0x2, s5  }
0x9: {  	s18 =	smul.u32 $0x13C000, s5;
	p0 =	sne.s32 s5, $0x0;
	s5 =	simm.s32 $0x0  }
0xa: {  	s6 =	sshrl.u32 s6, $0x3;
	s10 =	sshrl.u32 s8, $0x1;
	s25 =	sshrl.u32 s9, $0x2  }
0xb: {  	s26 =	sadd.s32 $0x3000, s12;
	s21 =	sadd.s32 $0x6000, s12;
	s15 =	sadd.s32 $0x9000, s12  }
0xc: {  	s16 =	sadd.s32 $0xC000, s12;
	s19 =	sadd.s32 $0xF000, s12;
	s20 =	sadd.s32 $0x12000, s12  }
0xd: {  	s6 =	sadd.s32 s1, s6;
	s14 =	ssub.s32 s8, s10;
	s1 =	sadd.s32 s1, s7  }
0xe: {  	s7 =	sadd.s32 s25, s2;
	s8 =	sadd.s32 s26, s2;
	s9 =	sadd.s32 s21, s2  }
0xf: {  	s10 =	sadd.s32 s15, s2;
	s11 =	sadd.s32 s16, s2;
	s17 =	sadd.s32 s12, s18  }
0x10: {  	s12 =	sadd.s32 s19, s2;
	s13 =	sadd.s32 s20, s2;
	s15 =	sadd.s32 s18, s15  }
0x11: {  	s23 =	sadd.s32 s18, s16;
	s24 =	sadd.s32 s18, s19;
	s25 =	sadd.s32 s18, s20  }
0x12: {  	s6 =	sadd.s32 $0x6000, s6;
	[dreg:$0x5] =	wrdreg s1;
	s17 =	sshrl.u32 s17, $0x3  }
0x13: {  	s1 =	sadd.s32 s18, s21;
	s22 =	sshrl.u32 s15, $0x3;
	s21 =	smax.u32 s14, $0x1  }
0x14: {  	[dreg:$0x4] =	wrdreg s6;
	s17 =	sadd.s32 s0, s17;
	s6 =	sadd.s32 s18, s26  }
0x15: {  	s1 =	sshrl.u32 s1, $0x3;
	s26 =	sshrl.u32 s25, $0x3;
	s25 =	simm.s32 $0x3000  }
0x16: {  	[dreg:$0x6] =	wrdreg s17;
	s6 =	sshrl.u32 s6, $0x3;
	s1 =	sadd.s32 s0, s1  }
0x17: {  	s17 =	sadd.s32 s0, s22;
	s20 =	sadd.s32 s0, s26;
	s22 =	simm.s32 $0x3200  }
0x18: {  	s26 =	simm.s32 $0x3080;
	s6 =	sadd.s32 s0, s6;
	[dreg:$0x8] =	wrdreg s1  }
0x19: {  	s1 =	sshrl.u32 s23, $0x3;
	s23 =	simm.s32 $0x3;
	[dreg:$0x7] =	wrdreg s6  }
0x1a: {  	s6 =	sshrl.u32 s24, $0x3;
	s18 =	sadd.s32 s0, s1;
	s24 =	simm.s32 $0x60  }
0x1b: {  	v0 =	vimm.f32 $0.0e+00;
	s1 =	simm.s32 $0x4;
	s19 =	sadd.s32 s0, s6;
	s0 =	simm.s32 $0x3180  }
.LBB2_1:
0x1c: {  	s6 =	simm.s32 @p0 $0x0;
	s14 =	rddreg [dreg:$0x4]  }
0x1d: {  	v1 =	vimm.s32 @p0 $0x27100000;
	[tilespmem:s6], [sflag:$0x1] =	stream.linear.gather @p0 [hbm4b:s14+s6], $0x1E20, $0x38;
	[tilespmem:$0x1CE00] =	vst v63  }
0x1e: {  	[tilespmem:$0x1E20] =	vst @p0 v1  }
0x1f: {  	[tilespmem:$0x1E30] =	vst @p0 v1  }
0x20: {  	[tilespmem:$0x1E40] =	vst @p0 v1  }
0x21: {  	[tilespmem:$0x1E50] =	vst @p0 v1  }
0x22: {  	[tilespmem:$0x1E60] =	vst @p0 v1  }
0x23: {  	[tilespmem:$0x1E70] =	vst @p0 v1  }
0x24: {  	[tilespmem:$0x1E80] =	vst @p0 v1  }
0x25: {  	[tilespmem:$0x1E90] =	vst @p0 v1  }
0x26: {  	[tilespmem:$0x1EA0] =	vst @p0 v1  }
0x27: {  	s6 =	simm.s32 @!p0 $0x0;
	s14 =	rddreg [dreg:$0x5];
	[tilespmem:$0x1EB0] =	vst @p0 v1  }
0x28: {  	[tilespmem:s6], [sflag:$0x1] =	stream.linear.gather @!p0 [hbm4b:s14+s6], $0x3000, $0x38;
	[tilespmem:$0x1CE00] =	vst v63  }
0x29: {  	s6 =	simm.s32 $0x0;
	s14 =	simm.s32 $0x200  }
.LBB2_2:
0x2a: {  	p1 =	sne.s32 s14, $0xBE00;
	[tilespmem:s6+$0x3270] =	vst v0  }
0x2b: {  	[tilespmem:s6+$0x3200] =	vst v0  }
0x2c: {  	[tilespmem:s6+$0x3210] =	vst v0  }
.Ltmp0:
0x2d: {  	[tilespmem:s6+$0x3220] =	vst v0;
	(pc) =	sbr.rel @p1 .LBB2_2-.Ltmp0, $4  }
0x2e: {  	[tilespmem:s6+$0x3230] =	vst v0  }
0x2f: {  	[tilespmem:s6+$0x3240] =	vst v0  }
0x30: {  	[tilespmem:s6+$0x3250] =	vst v0  }
0x31: {  	[tilespmem:s6+$0x3260] =	vst v0;
	s6 =	sshra.s32 s14, $0x2;
	s14 =	sadd.s32 $0x200, s14  }
0x32: {  	[tilespmem:s6+$0x3270] =	vst v0  }
0x33: {  	[tilespmem:s6+$0x3200] =	vst v0  }
0x34: {  	[tilespmem:s6+$0x3210] =	vst v0  }
0x35: {  	[tilespmem:s6+$0x3220] =	vst v0  }
0x36: {  	[tilespmem:s6+$0x3230] =	vst v0  }
0x37: {  	[tilespmem:s6+$0x3240] =	vst v0  }
0x38: {  	[tilespmem:s6+$0x3250] =	vst v0  }
0x39: {  	[tilespmem:s6+$0x3260] =	vst v0  }
0x3a: {  	[spmem:s7] =	stream.linear.scatter [tilespmem:s22], [sflag:$0x3], $0x3000, $0x38;
	[tilespmem:$0x1CE00] =	vst v63  }
0x3b: {  	_ = 	snop  }
0x3c: {  	[spmem:s8] =	stream.linear.scatter [tilespmem:s22], [sflag:$0x3], $0x3000, $0x38;
	[tilespmem:$0x1CE00] =	vst v63  }
0x3d: {  	_ = 	snop  }
0x3e: {  	[spmem:s9] =	stream.linear.scatter [tilespmem:s22], [sflag:$0x3], $0x3000, $0x38;
	[tilespmem:$0x1CE00] =	vst v63  }
0x3f: {  	_ = 	snop  }
0x40: {  	[spmem:s10] =	stream.linear.scatter [tilespmem:s22], [sflag:$0x3], $0x3000, $0x38;
	[tilespmem:$0x1CE00] =	vst v63  }
0x41: {  	_ = 	snop  }
0x42: {  	[spmem:s11] =	stream.linear.scatter [tilespmem:s22], [sflag:$0x3], $0x3000, $0x38;
	[tilespmem:$0x1CE00] =	vst v63  }
0x43: {  	_ = 	snop  }
0x44: {  	[spmem:s12] =	stream.linear.scatter [tilespmem:s22], [sflag:$0x3], $0x3000, $0x38;
	[tilespmem:$0x1CE00] =	vst v63  }
0x45: {  	_ = 	snop  }
0x46: {  	[spmem:s13] =	stream.linear.scatter [tilespmem:s22], [sflag:$0x3], $0x1C00, $0x38;
	[tilespmem:$0x1CE00] =	vst v63  }
0x47: {  	_ =	swait.ge [sflag:s23], $0x3000  }
0x48: {  	[sflag:s23] =	ssyncset.done $0x0  }
0x49: {  	[sflag:s23] =	ssyncadd.s32 $0xFFFFD000  }
0x4a: {  	_ =	swait.ge [sflag:s23], $0x3000  }
0x4b: {  	[sflag:s23] =	ssyncset.done $0x0  }
0x4c: {  	[sflag:s23] =	ssyncadd.s32 $0xFFFFD000  }
0x4d: {  	_ =	swait.ge [sflag:s23], $0x3000  }
0x4e: {  	[sflag:s23] =	ssyncset.done $0x0  }
0x4f: {  	[sflag:s23] =	ssyncadd.s32 $0xFFFFD000  }
0x50: {  	_ =	swait.ge [sflag:s23], $0x3000  }
0x51: {  	[sflag:s23] =	ssyncset.done $0x0  }
0x52: {  	[sflag:s23] =	ssyncadd.s32 $0xFFFFD000  }
0x53: {  	_ =	swait.ge [sflag:s23], $0x3000  }
0x54: {  	[sflag:s23] =	ssyncset.done $0x0  }
0x55: {  	[sflag:s23] =	ssyncadd.s32 $0xFFFFD000  }
0x56: {  	_ =	swait.ge [sflag:s23], $0x3000  }
0x57: {  	[sflag:s23] =	ssyncset.done $0x0  }
0x58: {  	[sflag:s23] =	ssyncadd.s32 $0xFFFFD000  }
0x59: {  	_ =	swait.ge [sflag:s23], $0x1C00  }
0x5a: {  	[sflag:s23] =	ssyncset.done $0x0  }
0x5b: {  	s6 =	simm.s32 @p0 $0x1;
	[sflag:s23] =	ssyncadd.s32 $0xFFFFE400  }
0x5c: {  	_ =	swait.ge @p0 [sflag:s6], $0x1E20  }
0x5d: {  	[sflag:s6] =	ssyncset.done @p0 $0x0  }
0x5e: {  	[sflag:s6] =	ssyncadd.s32 @p0 $0xFFFFE1E0;
	s6 =	simm.s32 @!p0 $0x1  }
0x5f: {  	_ =	swait.ge @!p0 [sflag:s6], $0x3000  }
0x60: {  	[sflag:s6] =	ssyncset.done @!p0 $0x0  }
0x61: {  	[sflag:s6] =	ssyncadd.s32 @!p0 $0xFFFFD000  }
0x62: {  	s6 =	simm.s32 $0x60;
	[bflag:$0x0] =	sbarrier.arrive $0xFFFF  }
0x63: {  	v1 =	vld [tilespmem:s6+$0xFFFFFFA0];
	_ =	sdelay $0x4  }
0x64: {  	v2 =	vand.u32 $0xFFFF, v1  }
0x65: {  	v1 =	vshrl.u32 v1, $0x10;
	[tilespmem:$0x3000] =	vst v2  }
0x66: {  	[tilespmem:$0x3100] =	vst v1  }
0x67: {  	v1 =	vld [tilespmem:s6+$0xFFFFFFB0];
	_ =	sdelay $0x4  }
0x68: {  	v2 =	vand.u32 $0xFFFF, v1  }
0x69: {  	v1 =	vshrl.u32 v1, $0x10;
	[tilespmem:$0x3010] =	vst v2  }
0x6a: {  	[tilespmem:$0x3110] =	vst v1  }
0x6b: {  	v1 =	vld [tilespmem:s6+$0xFFFFFFC0];
	_ =	sdelay $0x4  }
0x6c: {  	v2 =	vand.u32 $0xFFFF, v1  }
0x6d: {  	v1 =	vshrl.u32 v1, $0x10;
	[tilespmem:$0x3020] =	vst v2  }
0x6e: {  	[tilespmem:$0x3120] =	vst v1  }
0x6f: {  	v1 =	vld [tilespmem:s6+$0xFFFFFFD0];
	_ =	sdelay $0x4  }
0x70: {  	v2 =	vand.u32 $0xFFFF, v1  }
0x71: {  	v1 =	vshrl.u32 v1, $0x10;
	[tilespmem:$0x3030] =	vst v2  }
0x72: {  	[tilespmem:$0x3130] =	vst v1  }
0x73: {  	v1 =	vld [tilespmem:s6+$0xFFFFFFE0];
	_ =	sdelay $0x4  }
0x74: {  	v2 =	vand.u32 $0xFFFF, v1  }
0x75: {  	v1 =	vshrl.u32 v1, $0x10;
	[tilespmem:$0x3040] =	vst v2  }
0x76: {  	[tilespmem:$0x3140] =	vst v1  }
0x77: {  	v1 =	vld [tilespmem:s6+$0xFFFFFFF0];
	_ =	sdelay $0x4  }
0x78: {  	v2 =	vand.u32 $0xFFFF, v1  }
0x79: {  	v1 =	vshrl.u32 v1, $0x10;
	[tilespmem:$0x3050] =	vst v2  }
0x7a: {  	[tilespmem:$0x3150] =	vst v1  }
0x7b: {  	v1 =	vld [tilespmem:s6+$0x0];
	_ =	sdelay $0x4  }
0x7c: {  	v2 =	vand.u32 $0xFFFF, v1  }
0x7d: {  	v1 =	vshrl.u32 v1, $0x10;
	[tilespmem:$0x3080] =	vst v2  }
0x7e: {  	[tilespmem:$0x3180] =	vst v1  }
0x7f: {  	v1 =	vld [tilespmem:s6+$0x10];
	_ =	sdelay $0x4  }
0x80: {  	v2 =	vand.u32 $0xFFFF, v1  }
0x81: {  	s14 =	simm.s32 $0x0;
	v1 =	vshrl.u32 v1, $0x10;
	[tilespmem:$0x3090] =	vst v2  }
0x82: {  	s14 =	sand.u32 $0x7FFFFFC0, s14;
	[tilespmem:$0x3190] =	vst v1  }
0x83: {  	v1 =	vld [tilespmem:s14+$0x80];
	_ =	sdelay $0x4  }
0x84: {  	v2 =	vand.u32 $0xFFFF, v1  }
0x85: {  	v1 =	vshrl.u32 v1, $0x10;
	[tilespmem:$0x30A0] =	vst v2  }
0x86: {  	[tilespmem:$0x31A0] =	vst v1  }
0x87: {  	v1 =	vld [tilespmem:s6+$0x30];
	_ =	sdelay $0x4  }
0x88: {  	v2 =	vand.u32 $0xFFFF, v1  }
0x89: {  	v1 =	vshrl.u32 v1, $0x10;
	[tilespmem:$0x30B0] =	vst v2  }
0x8a: {  	[tilespmem:$0x31B0] =	vst v1  }
0x8b: {  	v1 =	vld [tilespmem:s6+$0x40];
	_ =	sdelay $0x4  }
0x8c: {  	v2 =	vand.u32 $0xFFFF, v1  }
0x8d: {  	v1 =	vshrl.u32 v1, $0x10;
	[tilespmem:$0x30C0] =	vst v2  }
0x8e: {  	[tilespmem:$0x31C0] =	vst v1  }
0x8f: {  	v1 =	vld [tilespmem:s6+$0x50];
	_ =	sdelay $0x1  }
0x90: {  	s14 =	simm.s32 @!p0 $0x40  }
0x91: {  	s14 =	simm.s32 @p0 $0x29  }
0x92: {  	s14 =	smul.u32 $0xC0, s14  }
0x93: {  	v2 =	vand.u32 $0xFFFF, v1  }
0x94: {  	p1 =	sne.s32 s14, $0xC0;
	v1 =	vshrl.u32 v1, $0x10;
	[tilespmem:$0x30D0] =	vst v2  }
.Ltmp1:
0x95: {  	[tilespmem:$0x31D0] =	vst v1;
	(pc) =	sbr.rel @!p1 .LBB2_5-.Ltmp1, $4  }
0x96: {  	[tilespmem:s22], [sflag:$0x1] =	stream.indirect.gather [hbm4b:s4+s24], $0x80, s25, s24, $0xb8;
	[tilespmem:$0x1CE00] =	vst v63  }
0x97: {  	_ = 	snop  }
0x98: {  	[tilespmem:s28], [sflag:$0x2] =	stream.indirect.gather [hbm4b:s4+s24], $0x80, s26, s24, $0xb8;
	[tilespmem:$0x1CE00] =	vst v63  }
0x99: {  	s15 =	simm.s32 $0xC0;
	_ =	swait.ge [sflag:s29], $0x3000  }
.LBB2_4:
0x9a: {  	[sflag:s29] =	ssyncset.done $0x0  }
0x9b: {  	s6 =	sadd.s32 $0xC0, s6;
	s16 =	smov.u32 s15;
	s15 =	sadd.s32 $0xC0, s15  }
0x9c: {  	p1 =	sne.s32 s14, s15;
	[sflag:s29] =	ssyncadd.s32 $0xFFFFD000  }
0x9d: {  	[spmem:s2] =	stream.indirect.scatter.add.f32 [tilespmem:s22], [sflag:$0x3], $0x80, s30, s24, $0xb8;
	[tilespmem:$0x1CE00] =	vst v63  }
0x9e: {  	_ =	swait.ge [sflag:s31], $0x3000  }
0x9f: {  	[sflag:s31] =	ssyncset.done $0x0  }
0xa0: {  	[sflag:s31] =	ssyncadd.s32 $0xFFFFD000  }
0xa1: {  	[spmem:s2] =	stream.indirect.scatter.add.f32 [tilespmem:s28], [sflag:$0x4], $0x80, s0, s24, $0xb8;
	[tilespmem:$0x1CE00] =	vst v63  }
0xa2: {  	_ =	swait.ge [sflag:s1], $0x3000  }
0xa3: {  	[sflag:s1] =	ssyncset.done $0x0  }
0xa4: {  	[sflag:s1] =	ssyncadd.s32 $0xFFFFD000  }
0xa5: {  	_ =	swait.ge [sflag:s23], $0x3000  }
0xa6: {  	[sflag:s23] =	ssyncset.done $0x0  }
0xa7: {  	[sflag:s23] =	ssyncadd.s32 $0xFFFFD000  }
0xa8: {  	v1 =	vld [tilespmem:s6+$0xFFFFFFA0];
	_ =	sdelay $0x4  }
0xa9: {  	v2 =	vand.u32 $0xFFFF, v1;
	v1 =	vshrl.u32 v1, $0x10  }
0xaa: {  	[tilespmem:$0x3000] =	vst v2  }
0xab: {  	[tilespmem:$0x3100] =	vst v1  }
0xac: {  	v1 =	vld [tilespmem:s6+$0xFFFFFFB0];
	_ =	sdelay $0x4  }
0xad: {  	v2 =	vand.u32 $0xFFFF, v1;
	v1 =	vshrl.u32 v1, $0x10  }
0xae: {  	[tilespmem:$0x3010] =	vst v2  }
0xaf: {  	[tilespmem:$0x3110] =	vst v1  }
0xb0: {  	v1 =	vld [tilespmem:s6+$0xFFFFFFC0];
	_ =	sdelay $0x4  }
0xb1: {  	v2 =	vand.u32 $0xFFFF, v1;
	v1 =	vshrl.u32 v1, $0x10  }
0xb2: {  	[tilespmem:$0x3020] =	vst v2  }
0xb3: {  	[tilespmem:$0x3120] =	vst v1  }
0xb4: {  	v1 =	vld [tilespmem:s6+$0xFFFFFFD0];
	_ =	sdelay $0x4  }
0xb5: {  	v2 =	vand.u32 $0xFFFF, v1;
	v1 =	vshrl.u32 v1, $0x10  }
0xb6: {  	[tilespmem:$0x3030] =	vst v2  }
0xb7: {  	[tilespmem:$0x3130] =	vst v1  }
0xb8: {  	v1 =	vld [tilespmem:s6+$0xFFFFFFE0];
	_ =	sdelay $0x4  }
0xb9: {  	v2 =	vand.u32 $0xFFFF, v1;
	v1 =	vshrl.u32 v1, $0x10  }
0xba: {  	[tilespmem:$0x3040] =	vst v2  }
0xbb: {  	[tilespmem:$0x3140] =	vst v1  }
0xbc: {  	v1 =	vld [tilespmem:s6+$0xFFFFFFF0];
	_ =	sdelay $0x4  }
0xbd: {  	v2 =	vand.u32 $0xFFFF, v1;
	v1 =	vshrl.u32 v1, $0x10  }
0xbe: {  	[tilespmem:$0x3050] =	vst v2  }
0xbf: {  	[tilespmem:$0x3150] =	vst v1  }
0xc0: {  	v1 =	vld [tilespmem:s6+$0x0];
	_ =	sdelay $0x4  }
0xc1: {  	v2 =	vand.u32 $0xFFFF, v1;
	v1 =	vshrl.u32 v1, $0x10  }
0xc2: {  	[tilespmem:$0x3080] =	vst v2  }
0xc3: {  	s16 =	sand.u32 $0x7FFFFFC0, s16;
	[tilespmem:$0x3180] =	vst v1  }
0xc4: {  	v1 =	vld [tilespmem:s6+$0x10];
	_ =	sdelay $0x4  }
0xc5: {  	v2 =	vand.u32 $0xFFFF, v1;
	v1 =	vshrl.u32 v1, $0x10  }
0xc6: {  	[tilespmem:$0x3090] =	vst v2  }
0xc7: {  	[tilespmem:$0x3190] =	vst v1  }
0xc8: {  	v1 =	vld [tilespmem:s16+$0x80];
	_ =	sdelay $0x4  }
0xc9: {  	v2 =	vand.u32 $0xFFFF, v1;
	v1 =	vshrl.u32 v1, $0x10  }
0xca: {  	[tilespmem:$0x30A0] =	vst v2  }
0xcb: {  	[tilespmem:$0x31A0] =	vst v1  }
0xcc: {  	v1 =	vld [tilespmem:s6+$0x30];
	_ =	sdelay $0x4  }
0xcd: {  	v2 =	vand.u32 $0xFFFF, v1;
	v1 =	vshrl.u32 v1, $0x10  }
0xce: {  	[tilespmem:$0x30B0] =	vst v2  }
0xcf: {  	[tilespmem:$0x31B0] =	vst v1  }
0xd0: {  	v1 =	vld [tilespmem:s6+$0x40];
	_ =	sdelay $0x4  }
0xd1: {  	v2 =	vand.u32 $0xFFFF, v1;
	v1 =	vshrl.u32 v1, $0x10  }
0xd2: {  	[tilespmem:$0x30C0] =	vst v2  }
0xd3: {  	[tilespmem:$0x31C0] =	vst v1  }
0xd4: {  	v1 =	vld [tilespmem:s6+$0x50];
	_ =	sdelay $0x4  }
0xd5: {  	v2 =	vand.u32 $0xFFFF, v1;
	v1 =	vshrl.u32 v1, $0x10  }
0xd6: {  	[tilespmem:$0x30D0] =	vst v2  }
.Ltmp2:
0xd7: {  	[tilespmem:$0x31D0] =	vst v1;
	(pc) =	sbr.rel @p1 .LBB2_4-.Ltmp2, $4  }
0xd8: {  	[tilespmem:s22], [sflag:$0x1] =	stream.indirect.gather [hbm4b:s4+s24], $0x80, s25, s24, $0xb8;
	[tilespmem:$0x1CE00] =	vst v63  }
0xd9: {  	_ = 	snop  }
0xda: {  	[tilespmem:s28], [sflag:$0x2] =	stream.indirect.gather [hbm4b:s4+s24], $0x80, s26, s24, $0xb8;
	[tilespmem:$0x1CE00] =	vst v63  }
0xdb: {  	_ =	swait.ge [sflag:s29], $0x3000  }
.LBB2_5:
0xdc: {  	[sflag:s29] =	ssyncset.done $0x0  }
0xdd: {  	[sflag:s29] =	ssyncadd.s32 $0xFFFFD000  }
0xde: {  	[spmem:s2] =	stream.indirect.scatter.add.f32 [tilespmem:s22], [sflag:$0x3], $0x80, s30, s24, $0xb8;
	[tilespmem:$0x1CE00] =	vst v63  }
0xdf: {  	_ =	swait.ge [sflag:s31], $0x3000  }
0xe0: {  	[sflag:s31] =	ssyncset.done $0x0  }
0xe1: {  	[sflag:s31] =	ssyncadd.s32 $0xFFFFD000  }
0xe2: {  	[spmem:s2] =	stream.indirect.scatter.add.f32 [tilespmem:s28], [sflag:$0x4], $0x80, s0, s24, $0xb8;
	[tilespmem:$0x1CE00] =	vst v63  }
0xe3: {  	_ =	swait.ge [sflag:s1], $0x3000  }
0xe4: {  	[sflag:s1] =	ssyncset.done $0x0  }
0xe5: {  	[sflag:s1] =	ssyncadd.s32 $0xFFFFD000  }
0xe6: {  	_ =	swait.ge [sflag:s23], $0x3000  }
0xe7: {  	[sflag:s23] =	ssyncset.done $0x0  }
0xe8: {  	[sflag:s23] =	ssyncadd.s32 $0xFFFFD000  }
0xe9: {  	[bflag:$0x0] =	sbarrier.arrive $0xFFFF  }
0xea: {  	[tilespmem:s22], [sflag:$0x4] =	stream.linear.gather [spmem:s7], $0x3000, $0x38;
	[tilespmem:$0x1CE00] =	vst v63  }
0xeb: {  	_ =	swait.ge [sflag:s1], $0x3000  }
0xec: {  	[sflag:s1] =	ssyncset.done $0x0  }
0xed: {  	s6 =	rddreg [dreg:$0x6];
	[sflag:s1] =	ssyncadd.s32 $0xFFFFD000  }
0xee: {  	[hbm4b:s6+s3] =	stream.linear.scatter [tilespmem:s22], [sflag:$0x3], $0x3000, $0x38;
	[tilespmem:$0x1CE00] =	vst v63  }
0xef: {  	_ = 	snop  }
0xf0: {  	[tilespmem:s28], [sflag:$0x4] =	stream.linear.gather [spmem:s8], $0x3000, $0x38;
	[tilespmem:$0x1CE00] =	vst v63  }
0xf1: {  	_ =	swait.ge [sflag:s1], $0x3000  }
0xf2: {  	[sflag:s1] =	ssyncset.done $0x0  }
0xf3: {  	s15 =	rddreg [dreg:$0x7];
	[sflag:s1] =	ssyncadd.s32 $0xFFFFD000  }
0xf4: {  	[hbm4b:s15+s3] =	stream.linear.scatter [tilespmem:s28], [sflag:$0x3], $0x3000, $0x38;
	[tilespmem:$0x1CE00] =	vst v63  }
0xf5: {  	_ =	swait.ge [sflag:s23], $0x3000  }
0xf6: {  	[sflag:s23] =	ssyncset.done $0x0  }
0xf7: {  	[sflag:s23] =	ssyncadd.s32 $0xFFFFD000  }
0xf8: {  	[tilespmem:s22], [sflag:$0x4] =	stream.linear.gather [spmem:s9], $0x3000, $0x38;
	[tilespmem:$0x1CE00] =	vst v63  }
0xf9: {  	_ =	swait.ge [sflag:s1], $0x3000  }
0xfa: {  	[sflag:s1] =	ssyncset.done $0x0  }
0xfb: {  	s16 =	rddreg [dreg:$0x8];
	[sflag:s1] =	ssyncadd.s32 $0xFFFFD000  }
0xfc: {  	[hbm4b:s16+s3] =	stream.linear.scatter [tilespmem:s22], [sflag:$0x3], $0x3000, $0x38;
	[tilespmem:$0x1CE00] =	vst v63  }
0xfd: {  	_ =	swait.ge [sflag:s23], $0x3000  }
0xfe: {  	[sflag:s23] =	ssyncset.done $0x0  }
0xff: {  	[sflag:s23] =	ssyncadd.s32 $0xFFFFD000  }
0x100: {  	[tilespmem:s28], [sflag:$0x4] =	stream.linear.gather [spmem:s10], $0x3000, $0x38;
	[tilespmem:$0x1CE00] =	vst v63  }
0x101: {  	_ =	swait.ge [sflag:s1], $0x3000  }
0x102: {  	[sflag:s1] =	ssyncset.done $0x0  }
0x103: {  	[sflag:s1] =	ssyncadd.s32 $0xFFFFD000  }
0x104: {  	[hbm4b:s17+s3] =	stream.linear.scatter [tilespmem:s28], [sflag:$0x3], $0x3000, $0x38;
	[tilespmem:$0x1CE00] =	vst v63  }
0x105: {  	_ =	swait.ge [sflag:s23], $0x3000  }
0x106: {  	[sflag:s23] =	ssyncset.done $0x0  }
0x107: {  	[sflag:s23] =	ssyncadd.s32 $0xFFFFD000  }
0x108: {  	[tilespmem:s22], [sflag:$0x4] =	stream.linear.gather [spmem:s11], $0x3000, $0x38;
	[tilespmem:$0x1CE00] =	vst v63  }
0x109: {  	_ =	swait.ge [sflag:s1], $0x3000  }
0x10a: {  	[sflag:s1] =	ssyncset.done $0x0  }
0x10b: {  	[sflag:s1] =	ssyncadd.s32 $0xFFFFD000  }
0x10c: {  	[hbm4b:s18+s3] =	stream.linear.scatter [tilespmem:s22], [sflag:$0x3], $0x3000, $0x38;
	[tilespmem:$0x1CE00] =	vst v63  }
0x10d: {  	_ =	swait.ge [sflag:s23], $0x3000  }
0x10e: {  	[sflag:s23] =	ssyncset.done $0x0  }
0x10f: {  	[sflag:s23] =	ssyncadd.s32 $0xFFFFD000  }
0x110: {  	[tilespmem:s28], [sflag:$0x4] =	stream.linear.gather [spmem:s12], $0x3000, $0x38;
	[tilespmem:$0x1CE00] =	vst v63  }
0x111: {  	_ =	swait.ge [sflag:s1], $0x3000  }
0x112: {  	[sflag:s1] =	ssyncset.done $0x0  }
0x113: {  	[sflag:s1] =	ssyncadd.s32 $0xFFFFD000  }
0x114: {  	[hbm4b:s19+s3] =	stream.linear.scatter [tilespmem:s28], [sflag:$0x3], $0x3000, $0x38;
	[tilespmem:$0x1CE00] =	vst v63  }
0x115: {  	_ =	swait.ge [sflag:s23], $0x3000  }
0x116: {  	[sflag:s23] =	ssyncset.done $0x0  }
0x117: {  	[sflag:s23] =	ssyncadd.s32 $0xFFFFD000  }
0x118: {  	[tilespmem:s22], [sflag:$0x4] =	stream.linear.gather [spmem:s13], $0x1C00, $0x38;
	[tilespmem:$0x1CE00] =	vst v63  }
0x119: {  	_ =	swait.ge [sflag:s1], $0x1C00  }
0x11a: {  	[sflag:s1] =	ssyncset.done $0x0  }
0x11b: {  	s5 =	sadd.s32 $0x1, s5;
	[sflag:s1] =	ssyncadd.s32 $0xFFFFE400  }
0x11c: {  	[hbm4b:s20+s3] =	stream.linear.scatter [tilespmem:s22], [sflag:$0x3], $0x1C00, $0x38;
	[tilespmem:$0x1CE00] =	vst v63  }
0x11d: {  	p1 =	sne.s32 s5, s21;
	_ =	swait.ge [sflag:s23], $0x3000  }
.Ltmp3:
0x11e: {  	[sflag:s23] =	ssyncset.done $0x0;
	(pc) =	sbr.rel @p1 .LBB2_1-.Ltmp3, $4  }
0x11f: {  	[sflag:s23] =	ssyncadd.s32 $0xFFFFD000  }
0x120: {  	_ =	swait.ge [sflag:s23], $0x1C00  }
0x121: {  	[sflag:s23] =	ssyncset.done $0x0  }
0x122: {  	[sflag:s23] =	ssyncadd.s32 $0xFFFFE400  }
0x123: {  	_ =	sfence.sel $0x180000  }
0x124: {  	[bflag:$0x0] =	sbarrier.arrive $0xFFFF  }
0x125: {  	_ =	strace $0x90000047  }
0x126: {  	s0 =	stileid.u32;
	[bflag:$0x2] =	sbarrier.arrive $0xFFFF  }
0x127: {  	p0 =	sne.s32 s0, $0x0;
	s0 =	rddreg [dreg:$0x3]  }
0x128: {  	s0 =	sadd.s32 @!p0 $0x100000, s0  }
0x129: {  	[sflag:s0] =	ssyncadd.tile.s32 @!p0 $0x1;
	_ =	shalt  }
.Lfunc_end2:
_tile_overlayer_lowered:
.L_overlay_start_2:
0x12a: {  	(tag) =	ssettag $0x2  }
0x12b: {  	s0 =	rddreg [dreg:$0x0];
	s2 =	stileid.u32  }
0x12c: {  	s1 =	rddreg [dreg:$0x1];
	p0 =	sne.s32 s2, $0x0  }
0x12d: {  	s3 =	rddreg [dreg:$0x2];
	[bflag:$0x3] =	sbarrier.arrive $0xFFFF;
	s2 =	simm.s32 @!p0 $0x1C04  }
0x12e: {  	[timem:s3], [sflag:s2] =	dma.local @!p0 [hbm:s0], s1  }
0x12f: {  	s0 =	simm.s32 @!p0 $0x4  }
0x130: {  	_ =	swait.ge @!p0 [sflag:s0], s1  }
0x131: {  	s1 =	ssub.s32 @!p0 $0x0, s1;
	[sflag:s0] =	ssyncset.done @!p0 $0x0  }
0x132: {  	[sflag:s0] =	ssyncadd.s32 @!p0 s1  }
0x133: {  	[bflag:$0x3] =	sbarrier.arrive $0xFFFF  }
0x134: {  	_ =	shalt  }

</sc_bundles>
